<compile_context>
chip_gen: v7x
topology: tpu7x:2x2x1
jax: 0.10.2.dev20260603
libtpu: 0.0.44.dev20260713+nightly
codegen_flags: <defaults>
</compile_context>

<pallas_src>
import functools

import jax
import jax.numpy as jnp
from jax import lax
from jax.experimental import pallas as pl
from jax.experimental.pallas import tpu as pltpu
from jax.experimental.pallas import tpu_sc as plsc

_N = 10000
_E = 320000
_D = 128
_H = 128
_OUT = 2
_G = 64

_NC = 2
_NS = 16
_NW = _NC * _NS
_K = 128
_C = -(-_E // (_NW * _K))
_EPAD = _NW * _C * _K
_NP = 10240
_RPT = _NP // _NS

_mesh = plsc.VectorSubcoreMesh(core_axis_name="c", subcore_axis_name="s")



def _deg_body(dst_hbm, out_hbm, ones_v, idxa_v, idxb_v, zrow_v, deg_sh,
              dsema, dsemb):
    cid = lax.axis_index("c")
    sid = lax.axis_index("s")
    wid = sid * _NC + cid

    @pl.loop(0, _K // 16)
    def _fill_ones(i):
        ones_v[pl.ds(i * 16, 16)] = jnp.ones((16,), jnp.float32)

    @pl.loop(0, _RPT // 16)
    def _fill_zero(i):
        zrow_v[pl.ds(i * 16, 16)] = jnp.zeros((16,), jnp.float32)

    pltpu.sync_copy(zrow_v, deg_sh.at[pl.ds(sid * _RPT, _RPT)])
    plsc.subcore_barrier()

    @pl.loop(0, _C // 2)
    def _pair(p):
        basea = (wid * _C + 2 * p) * _K
        cpa = pltpu.async_copy(dst_hbm.at[pl.ds(basea, _K)], idxa_v, dsema)
        cpb = pltpu.async_copy(dst_hbm.at[pl.ds(basea + _K, _K)], idxb_v,
                               dsemb)
        cpa.wait()
        pltpu.sync_copy(ones_v, deg_sh.at[idxa_v], add=True)
        cpb.wait()
        pltpu.sync_copy(ones_v, deg_sh.at[idxb_v], add=True)

    if _C % 2:
        base = (wid * _C + (_C - 1)) * _K
        pltpu.sync_copy(dst_hbm.at[pl.ds(base, _K)], idxa_v)
        pltpu.sync_copy(ones_v, deg_sh.at[idxa_v], add=True)

    plsc.subcore_barrier()
    pltpu.sync_copy(deg_sh.at[pl.ds(sid * _RPT, _RPT)],
                    out_hbm.at[cid, pl.ds(sid * _RPT, _RPT)])


_deg_call = pl.kernel(
    _deg_body,
    out_type=jax.ShapeDtypeStruct((_NC, _NP), jnp.float32),
    mesh=_mesh,
    scratch_types=[
        pltpu.VMEM((_K,), jnp.float32),
        pltpu.VMEM((_K,), jnp.int32),
        pltpu.VMEM((_K,), jnp.int32),
        pltpu.VMEM((_RPT,), jnp.float32),
        pltpu.VMEM_SHARED((_NP,), jnp.float32),
        pltpu.SemaphoreType.DMA,
        pltpu.SemaphoreType.DMA,
    ],
)


def _agg_body(tbl_hbm, src_hbm, dst_hbm, out_hbm,
              idxsa_v, idxda_v, idxsb_v, idxdb_v, rowsa_v, rowsb_v,
              acc_sh, gsema, gsemb):
    cid = lax.axis_index("c")
    sid = lax.axis_index("s")
    wid = sid * _NC + cid

    @pl.loop(0, _K)
    def _zrow(i):
        @pl.loop(0, _D // 16)
        def _zcol(j):
            rowsa_v[i, pl.ds(j * 16, 16)] = jnp.zeros((16,), jnp.float32)

    @pl.loop(0, _RPT // _K)
    def _zinit(r):
        pltpu.sync_copy(rowsa_v, acc_sh.at[pl.ds(sid * _RPT + r * _K, _K)])

    plsc.subcore_barrier()

    @pl.loop(0, _C // 2)
    def _pair(p):
        basea = (wid * _C + 2 * p) * _K
        baseb = basea + _K
        pltpu.sync_copy(src_hbm.at[pl.ds(basea, _K)], idxsa_v)
        pltpu.sync_copy(dst_hbm.at[pl.ds(basea, _K)], idxda_v)
        cpa = pltpu.async_copy(tbl_hbm.at[idxsa_v], rowsa_v, gsema)
        pltpu.sync_copy(src_hbm.at[pl.ds(baseb, _K)], idxsb_v)
        pltpu.sync_copy(dst_hbm.at[pl.ds(baseb, _K)], idxdb_v)
        cpb = pltpu.async_copy(tbl_hbm.at[idxsb_v], rowsb_v, gsemb)
        cpa.wait()
        pltpu.sync_copy(rowsa_v, acc_sh.at[idxda_v], add=True)
        cpb.wait()
        pltpu.sync_copy(rowsb_v, acc_sh.at[idxdb_v], add=True)

    if _C % 2:
        base = (wid * _C + (_C - 1)) * _K
        pltpu.sync_copy(src_hbm.at[pl.ds(base, _K)], idxsa_v)
        pltpu.sync_copy(dst_hbm.at[pl.ds(base, _K)], idxda_v)
        pltpu.async_copy(tbl_hbm.at[idxsa_v], rowsa_v, gsema).wait()
        pltpu.sync_copy(rowsa_v, acc_sh.at[idxda_v], add=True)

    plsc.subcore_barrier()
    pltpu.sync_copy(acc_sh.at[pl.ds(sid * _RPT, _RPT)],
                    out_hbm.at[cid, pl.ds(sid * _RPT, _RPT)])


_agg_call = pl.kernel(
    _agg_body,
    out_type=jax.ShapeDtypeStruct((_NC, _NP, _D), jnp.float32),
    mesh=_mesh,
    scratch_types=[
        pltpu.VMEM((_K,), jnp.int32),
        pltpu.VMEM((_K,), jnp.int32),
        pltpu.VMEM((_K,), jnp.int32),
        pltpu.VMEM((_K,), jnp.int32),
        pltpu.VMEM((_K, _D), jnp.float32),
        pltpu.VMEM((_K, _D), jnp.float32),
        pltpu.VMEM_SHARED((_NP, _D), jnp.float32),
        pltpu.SemaphoreType.DMA,
        pltpu.SemaphoreType.DMA,
    ],
)



def _xw_kernel(xp_ref, w1_ref, xw_ref):
    xw_ref[...] = jnp.dot(xp_ref[...], w1_ref[...],
                          preferred_element_type=jnp.float32)


def _xw_call(xp, W1):
    return pl.pallas_call(
        _xw_kernel,
        out_shape=jax.ShapeDtypeStruct((_NP, _D), jnp.float32),
    )(xp, W1)


def _prep1_kernel(xw_ref, degp_ref, normed_ref, dinv_ref):
    deg = 1.0 + degp_ref[0] + degp_ref[1]
    dinv = 1.0 / jnp.sqrt(deg)
    normed_ref[...] = xw_ref[...] * dinv
    dinv_ref[...] = dinv


def _prep1_call(xw, degp):
    return pl.pallas_call(
        _prep1_kernel,
        out_shape=[
            jax.ShapeDtypeStruct((_NP, _D), jnp.float32),
            jax.ShapeDtypeStruct((_NP, 1), jnp.float32),
        ],
    )(xw, degp)


def _post1_kernel(accp_ref, normed_ref, dinv_ref, b1_ref, g1_ref, be1_ref,
                  a1_ref, w2_ref, out_ref):
    dinv = dinv_ref[...]
    pre = dinv * (accp_ref[0] + accp_ref[1] + normed_ref[...]) + b1_ref[...]
    rows = lax.broadcasted_iota(jnp.int32, (_NP, 1), 0)
    maskf = (rows < _N).astype(jnp.float32)
    prem = pre * maskf
    m = jnp.sum(prem, axis=0, keepdims=True) / _N
    cen = (pre - m) * maskf
    v = jnp.sum(cen * cen, axis=0, keepdims=True) / _N
    bn = (pre - m) / jnp.sqrt(v + 1e-5) * g1_ref[...] + be1_ref[...]
    a1 = a1_ref[0, 0]
    h1 = jnp.where(bn >= 0, bn, a1 * bn) * maskf
    out_ref[...] = jnp.dot(h1, w2_ref[...],
                           preferred_element_type=jnp.float32) * dinv


def _post1_call(accp, normed, dinv, b1, g1, be1, a1, W2):
    return pl.pallas_call(
        _post1_kernel,
        out_shape=jax.ShapeDtypeStruct((_NP, _D), jnp.float32),
    )(accp, normed, dinv, b1, g1, be1, a1, W2)


def _final_kernel(accp_ref, normed_ref, dinv_ref, b2_ref, batch_ref,
                  wm1_ref, gm1_ref, bem1_ref, am_ref, wm2_ref, gm2_ref,
                  bem2_ref, wm3_ref, out_ref):
    h2 = dinv_ref[...] * (accp_ref[0] + accp_ref[1] + normed_ref[...]) \
        + b2_ref[...]
    gids = lax.broadcasted_iota(jnp.int32, (1, _G), 1)
    onehot = (batch_ref[...] == gids).astype(jnp.float32)
    s = lax.dot_general(onehot, h2, (((0,), (0,)), ((), ())),
                        preferred_element_type=jnp.float32,
                        precision=lax.Precision.HIGHEST)
    cnt = jnp.sum(onehot, axis=0)[:, None]
    h = s / jnp.maximum(cnt, 1.0)
    am = am_ref[0, 0]

    def mlp_bn(z, g, b):
        m = jnp.mean(z, axis=0, keepdims=True)
        v = jnp.mean((z - m) * (z - m), axis=0, keepdims=True)
        bn = (z - m) / jnp.sqrt(v + 1e-5) * g + b
        return jnp.where(bn >= 0, bn, am * bn)

    h = mlp_bn(jnp.dot(h, wm1_ref[...], preferred_element_type=jnp.float32),
               gm1_ref[...], bem1_ref[...])
    h = mlp_bn(jnp.dot(h, wm2_ref[...], preferred_element_type=jnp.float32),
               gm2_ref[...], bem2_ref[...])
    out_ref[...] = jnp.dot(h, wm3_ref[...],
                           preferred_element_type=jnp.float32)


def _final_call(accp, normed, dinv, b2, batchp, Wm1, gm1, bem1, am, Wm2,
                gm2, bem2, Wm3):
    return pl.pallas_call(
        _final_kernel,
        out_shape=jax.ShapeDtypeStruct((_G, _OUT), jnp.float32),
    )(accp, normed, dinv, b2, batchp, Wm1, gm1, bem1, am, Wm2, gm2, bem2,
      Wm3)



def kernel(x, edge_index, batch, W1, b1, g1, be1, a1, W2, b2,
           Wm1, gm1, bem1, am, Wm2, gm2, bem2, Wm3):
    src = edge_index[0]
    dst = edge_index[1]
    padi = _N + (jnp.arange(_EPAD - _E, dtype=jnp.int32) % (_NP - _N))
    srcp = jnp.concatenate([src, padi])
    dstp = jnp.concatenate([dst, padi])
    xp = jnp.pad(x, ((0, _NP - _N), (0, 0)))
    batchp = jnp.pad(batch, (0, _NP - _N), constant_values=_G)
    batchp = batchp.reshape(_NP, 1)

    xw = _xw_call(xp, W1)
    degp = _deg_call(dstp).reshape(_NC, _NP, 1)
    normed, dinv = _prep1_call(xw, degp)
    accp = _agg_call(normed, srcp, dstp)
    normed2 = _post1_call(accp, normed, dinv,
                          b1.reshape(1, _H), g1.reshape(1, _H),
                          be1.reshape(1, _H), a1.reshape(1, 1), W2)
    accp2 = _agg_call(normed2, srcp, dstp)
    return _final_call(accp2, normed2, dinv, b2.reshape(1, _H), batchp,
                       Wm1, gm1.reshape(1, _H), bem1.reshape(1, _H),
                       am.reshape(1, 1), Wm2, gm2.reshape(1, _H),
                       bem2.reshape(1, _H), Wm3)

# --- scband reference (transcript-rebuilt; emitter-appended) ---
"""Pipeline reference for scband-gnn-17008070492797 (READ-ONLY COPY).

The authoritative reference and input builder live on the scoring server;
editing this copy changes nothing except your own understanding.
"""

import jax, jax.numpy as jnp
import numpy as np

N = 10000
E = 320000
D = 128
H = 128
OUT = 2
G = 64


def setup_inputs(seed: int = 0) -> dict:
    key = jax.random.key(seed)
    ks = jax.random.split(key, 16)
    x = jax.random.normal(ks[0], (N, D), dtype=jnp.float32)
    edge_index = jax.random.randint(ks[1], (2, E), 0, N, dtype=jnp.int32)
    batch = jnp.sort(jax.random.randint(ks[2], (N,), 0, G, dtype=jnp.int32))
    s = 1.0 / np.sqrt(D)
    W1 = jax.random.normal(ks[3], (D, H), dtype=jnp.float32) * s
    b1 = jnp.zeros((H,), jnp.float32)
    g1 = jnp.ones((H,), jnp.float32)
    be1 = jnp.zeros((H,), jnp.float32)
    a1 = jnp.array(0.25, jnp.float32)
    W2 = jax.random.normal(ks[4], (H, H), dtype=jnp.float32) * s
    b2 = jnp.zeros((H,), jnp.float32)
    Wm1 = jax.random.normal(ks[5], (H, H), dtype=jnp.float32) * s
    gm1 = jnp.ones((H,), jnp.float32)
    bem1 = jnp.zeros((H,), jnp.float32)
    am = jnp.array(0.25, jnp.float32)
    Wm2 = jax.random.normal(ks[6], (H, H), dtype=jnp.float32) * s
    gm2 = jnp.ones((H,), jnp.float32)
    bem2 = jnp.zeros((H,), jnp.float32)
    Wm3 = jax.random.normal(ks[7], (H, OUT), dtype=jnp.float32) * s
    return {"x": x, "edge_index": edge_index, "batch": batch,
            "W1": W1, "b1": b1, "g1": g1, "be1": be1, "a1": a1,
            "W2": W2, "b2": b2,
            "Wm1": Wm1, "gm1": gm1, "bem1": bem1, "am": am,
            "Wm2": Wm2, "gm2": gm2, "bem2": bem2, "Wm3": Wm3}


def _gcn_conv(x, W, b, src, dst, n):
    xw = x @ W
    loop = jnp.arange(n, dtype=src.dtype)
    src2 = jnp.concatenate([src, loop])
    dst2 = jnp.concatenate([dst, loop])
    deg = jax.ops.segment_sum(jnp.ones_like(dst2, dtype=xw.dtype), dst2, num_segments=n)
    dinv = jnp.where(deg > 0, 1.0 / jnp.sqrt(deg), 0.0)
    norm = dinv[src2] * dinv[dst2]
    msg = xw[src2] * norm[:, None]
    out = jax.ops.segment_sum(msg, dst2, num_segments=n)
    return out + b


def _bn(x, g, b, eps=1e-5):
    m = x.mean(0)
    v = x.var(0)
    return (x - m) / jnp.sqrt(v + eps) * g + b


def _prelu(x, a):
    return jnp.where(x >= 0, x, a * x)


def reference(x, edge_index, batch, W1, b1, g1, be1, a1, W2, b2, Wm1, gm1, bem1, am, Wm2, gm2, bem2, Wm3):
    src = edge_index[0]
    dst = edge_index[1]
    # GCN backbone: conv -> BN -> PReLU -> conv (dropout omitted: deterministic eval)
    h = _gcn_conv(x, W1, b1, src, dst, N)
    h = _prelu(_bn(h, g1, be1), a1)
    h = _gcn_conv(h, W2, b2, src, dst, N)
    # global mean pool over graph ids
    s = jax.ops.segment_sum(h, batch, num_segments=G)
    cnt = jax.ops.segment_sum(jnp.ones((N,), h.dtype), batch, num_segments=G)
    h = s / jnp.clip(cnt, 1.0)[:, None]
    # MLP [H, H, H, OUT], bias=False, BN+PReLU on hidden layers, plain last
    h = _prelu(_bn(h @ Wm1, gm1, bem1), am)
    h = _prelu(_bn(h @ Wm2, gm2, bem2), am)
    return h @ Wm3

if __name__ == "__main__":
    import jax
    _d = setup_inputs()
    print(jax.jit(kernel)(*tuple(_d.values())))

</pallas_src>

<mosaic_0001>
#map = affine_map<(d0, d1) -> (0, 0)>
#map1 = affine_map<(d0, d1) -> (0)>
#map2 = affine_map<(d0, d1) -> (0, 0, 0)>
module attributes {stable_mosaic.version = 14 : i64} {
  func.func @_agg_body(%arg0: i32, %arg1: i32, %arg2: memref<10240x128xf32, #tpu.memory_space<hbm>>, %arg3: memref<323584xi32, #tpu.memory_space<hbm>>, %arg4: memref<323584xi32, #tpu.memory_space<hbm>>, %arg5: memref<2x10240x128xf32, #tpu.memory_space<hbm>>, %arg6: memref<128xi32, #tpu.memory_space<vmem>>, %arg7: memref<128xi32, #tpu.memory_space<vmem>>, %arg8: memref<128xi32, #tpu.memory_space<vmem>>, %arg9: memref<128xi32, #tpu.memory_space<vmem>>, %arg10: memref<128x128xf32, #tpu.memory_space<vmem>>, %arg11: memref<128x128xf32, #tpu.memory_space<vmem>>, %arg12: memref<10240x128xf32, #tpu.memory_space<vmem_shared>>, %arg13: memref<!tpu.dma_semaphore, #tpu.memory_space<semaphore_mem>>, %arg14: memref<!tpu.dma_semaphore, #tpu.memory_space<semaphore_mem>>) attributes {dimension_semantics = [#tpu.dimension_semantics<core_parallel>, #tpu.dimension_semantics<subcore_parallel>], iteration_bounds = array<i64: 2, 16>, scalar_prefetch = 0 : i64, scratch_operands = 9 : i64, tpu.core_type = #tpu.core_type<sc_vector_subcore>, window_params = [{transform_indices = #map}, {transform_indices = #map1}, {transform_indices = #map1}, {transform_indices = #map2}]} {
    %mul3A = arith.constant 2 : i32
    %mul3A_0 = arith.muli %arg1, %mul3A : i32
    %add3A = arith.addi %mul3A_0, %arg0 : i32
    %scan3A = arith.constant 0 : i32
    %scan3A_1 = arith.constant 128 : i32
    %scan3A_2 = arith.addi %scan3A, %scan3A_1 : i32
    %scan3A_3 = arith.constant 1 : i32
    scf.for %scan3A_30 = %scan3A to %scan3A_2 step %scan3A_3  : i32 {
      %mul3A_31 = arith.constant 1 : i32
      %mul3A_32 = arith.muli %scan3A_30, %mul3A_31 : i32
      %add3A_33 = arith.constant 0 : i32
      %add3A_34 = arith.addi %add3A_33, %mul3A_32 : i32
      %scan3A_35 = arith.constant 0 : i32
      %scan3A_36 = arith.constant 8 : i32
      %scan3A_37 = arith.addi %scan3A_35, %scan3A_36 : i32
      %scan3A_38 = arith.constant 1 : i32
      scf.for %scan3A_40 = %scan3A_35 to %scan3A_37 step %scan3A_38  : i32 {
        %mul3A_41 = arith.constant 1 : i32
        %mul3A_42 = arith.muli %scan3A_40, %mul3A_41 : i32
        %add3A_43 = arith.constant 0 : i32
        %add3A_44 = arith.addi %add3A_43, %mul3A_42 : i32
        %broadcast_in_dim3A = arith.constant 0.000000e+00 : f32
        %broadcast_in_dim3A_45 = vector.broadcast %broadcast_in_dim3A : f32 to vector<16xf32>
        %mul3A_46 = arith.constant 16 : i32
        %mul3A_47 = arith.muli %add3A_44, %mul3A_46 : i32
        %swap3A = arith.index_cast %add3A_34 : i32 to index
        %swap3A_48 = arith.index_cast %mul3A_47 : i32 to index
        %swap3A_49 = tpu.vector_load %arg10[%swap3A, %swap3A_48] {strides = array<i32>} : memref<128x128xf32, #tpu.memory_space<vmem>>, vector<1x16xf32>,
        %swap3A_50 = vector.shape_cast %swap3A_49 : vector<1x16xf32> to vector<16xf32>
        %swap3A_51 = vector.shape_cast %broadcast_in_dim3A_45 : vector<16xf32> to vector<1x16xf32>
        tpu.vector_store %arg10[%swap3A, %swap3A_48], %swap3A_51 {strides = array<i32>} : memref<128x128xf32, #tpu.memory_space<vmem>>, vector<1x16xf32>,
      }
      %scan3A_39 = arith.constant 8 : i32
    }
    %scan3A_4 = arith.constant 128 : i32
    %scan3A_5 = arith.constant 0 : i32
    %scan3A_6 = arith.constant 5 : i32
    %scan3A_7 = arith.addi %scan3A_5, %scan3A_6 : i32
    %scan3A_8 = arith.constant 1 : i32
    scf.for %scan3A_30 = %scan3A_5 to %scan3A_7 step %scan3A_8  : i32 {
      %mul3A_31 = arith.constant 1 : i32
      %mul3A_32 = arith.muli %scan3A_30, %mul3A_31 : i32
      %add3A_33 = arith.constant 0 : i32
      %add3A_34 = arith.addi %add3A_33, %mul3A_32 : i32
      %mul3A_35 = arith.constant 640 : i32
      %mul3A_36 = arith.muli %arg1, %mul3A_35 : i32
      %mul3A_37 = arith.constant 128 : i32
      %mul3A_38 = arith.muli %add3A_34, %mul3A_37 : i32
      %add3A_39 = arith.addi %mul3A_36, %mul3A_38 : i32
      "tpu.region"() ({
        %run_scoped3A = tpu.sem_alloc : memref<!tpu.dma_semaphore, #tpu.memory_space<semaphore_mem>>
        %dma_start3A_40 = arith.constant 0 : i32
        %dma_start3A_41 = tpu.memref_slice %arg12[%add3A_39, %dma_start3A_40] : memref<10240x128xf32, #tpu.memory_space<vmem_shared>> -> memref<128x128xf32, #tpu.memory_space<vmem_shared>>
        %dma_start3A_42 = arith.constant 0 : i32
        %dma_start3A_43 = tpu.memref_slice %arg12[%add3A_39, %dma_start3A_42] : memref<10240x128xf32, #tpu.memory_space<vmem_shared>> -> memref<128x128xf32, #tpu.memory_space<vmem_shared>>
        tpu.enqueue_dma source(%arg10 : memref<128x128xf32, #tpu.memory_space<vmem>>) target(%dma_start3A_43 : memref<128x128xf32, #tpu.memory_space<vmem_shared>>) target_semaphore(%run_scoped3A : memref<!tpu.dma_semaphore, #tpu.memory_space<semaphore_mem>>)
        %dma_wait3A_44 = arith.constant 0 : i32
        %dma_wait3A_45 = tpu.memref_slice %arg12[%add3A_39, %dma_wait3A_44] : memref<10240x128xf32, #tpu.memory_space<vmem_shared>> -> memref<128x128xf32, #tpu.memory_space<vmem_shared>>
        %dma_wait3A_46 = arith.constant 0 : i32
        %dma_wait3A_47 = tpu.memref_slice %arg12[%add3A_39, %dma_wait3A_46] : memref<10240x128xf32, #tpu.memory_space<vmem_shared>> -> memref<128x128xf32, #tpu.memory_space<vmem_shared>>
        tpu.wait_dma2 semaphore(%run_scoped3A : memref<!tpu.dma_semaphore, #tpu.memory_space<semaphore_mem>>) src(%arg10 : memref<128x128xf32, #tpu.memory_space<vmem>>) dst(%dma_wait3A_47 : memref<128x128xf32, #tpu.memory_space<vmem_shared>>)
        tpu.yield
      }) : () -> ()
    }
    %scan3A_9 = arith.constant 5 : i32
    %barrier3A = arith.constant 0 : index
    tpu.barrier barrier_id(%barrier3A)
    %scan3A_10 = arith.constant 0 : i32
    %scan3A_11 = arith.constant 39 : i32
    %scan3A_12 = arith.addi %scan3A_10, %scan3A_11 : i32
    %scan3A_13 = arith.constant 1 : i32
    scf.for %scan3A_30 = %scan3A_10 to %scan3A_12 step %scan3A_13  : i32 {
      %mul3A_31 = arith.constant 1 : i32
      %mul3A_32 = arith.muli %scan3A_30, %mul3A_31 : i32
      %add3A_33 = arith.constant 0 : i32
      %add3A_34 = arith.addi %add3A_33, %mul3A_32 : i32
      %mul3A_35 = arith.constant 79 : i32
      %mul3A_36 = arith.muli %add3A, %mul3A_35 : i32
      %mul3A_37 = arith.constant 2 : i32
      %mul3A_38 = arith.muli %mul3A_37, %add3A_34 : i32
      %add3A_39 = arith.addi %mul3A_36, %mul3A_38 : i32
      %mul3A_40 = arith.constant 128 : i32
      %mul3A_41 = arith.muli %add3A_39, %mul3A_40 : i32
      %add3A_42 = arith.constant 128 : i32
      %add3A_43 = arith.addi %mul3A_41, %add3A_42 : i32
      "tpu.region"() ({
        %run_scoped3A = tpu.sem_alloc : memref<!tpu.dma_semaphore, #tpu.memory_space<semaphore_mem>>
        %dma_start3A_56 = tpu.memref_slice %arg3[%mul3A_41] : memref<323584xi32, #tpu.memory_space<hbm>> -> memref<128xi32, #tpu.memory_space<hbm>>
        %dma_start3A_57 = tpu.memref_slice %arg3[%mul3A_41] : memref<323584xi32, #tpu.memory_space<hbm>> -> memref<128xi32, #tpu.memory_space<hbm>>
        tpu.enqueue_dma source(%dma_start3A_57 : memref<128xi32, #tpu.memory_space<hbm>>) target(%arg6 : memref<128xi32, #tpu.memory_space<vmem>>) target_semaphore(%run_scoped3A : memref<!tpu.dma_semaphore, #tpu.memory_space<semaphore_mem>>)
        %dma_wait3A_58 = tpu.memref_slice %arg3[%mul3A_41] : memref<323584xi32, #tpu.memory_space<hbm>> -> memref<128xi32, #tpu.memory_space<hbm>>
        %dma_wait3A_59 = tpu.memref_slice %arg3[%mul3A_41] : memref<323584xi32, #tpu.memory_space<hbm>> -> memref<128xi32, #tpu.memory_space<hbm>>
        tpu.wait_dma2 semaphore(%run_scoped3A : memref<!tpu.dma_semaphore, #tpu.memory_space<semaphore_mem>>) src(%dma_wait3A_59 : memref<128xi32, #tpu.memory_space<hbm>>) dst(%arg6 : memref<128xi32, #tpu.memory_space<vmem>>)
        tpu.yield
      }) : () -> ()
      "tpu.region"() ({
        %run_scoped3A = tpu.sem_alloc : memref<!tpu.dma_semaphore, #tpu.memory_space<semaphore_mem>>
        %dma_start3A_56 = tpu.memref_slice %arg4[%mul3A_41] : memref<323584xi32, #tpu.memory_space<hbm>> -> memref<128xi32, #tpu.memory_space<hbm>>
        %dma_start3A_57 = tpu.memref_slice %arg4[%mul3A_41] : memref<323584xi32, #tpu.memory_space<hbm>> -> memref<128xi32, #tpu.memory_space<hbm>>
        tpu.enqueue_dma source(%dma_start3A_57 : memref<128xi32, #tpu.memory_space<hbm>>) target(%arg7 : memref<128xi32, #tpu.memory_space<vmem>>) target_semaphore(%run_scoped3A : memref<!tpu.dma_semaphore, #tpu.memory_space<semaphore_mem>>)
        %dma_wait3A_58 = tpu.memref_slice %arg4[%mul3A_41] : memref<323584xi32, #tpu.memory_space<hbm>> -> memref<128xi32, #tpu.memory_space<hbm>>
        %dma_wait3A_59 = tpu.memref_slice %arg4[%mul3A_41] : memref<323584xi32, #tpu.memory_space<hbm>> -> memref<128xi32, #tpu.memory_space<hbm>>
        tpu.wait_dma2 semaphore(%run_scoped3A : memref<!tpu.dma_semaphore, #tpu.memory_space<semaphore_mem>>) src(%dma_wait3A_59 : memref<128xi32, #tpu.memory_space<hbm>>) dst(%arg7 : memref<128xi32, #tpu.memory_space<vmem>>)
        tpu.yield
      }) : () -> ()
      %dma_start3A_44 = arith.constant 0 : i32
      %dma_start3A_45 = arith.constant 0 : i32
      %dma_start3A_46 = tpu.memref_slice %arg2[%dma_start3A_44, %dma_start3A_45] : memref<10240x128xf32, #tpu.memory_space<hbm>> -> memref<10240x128xf32, #tpu.memory_space<hbm>>
      tpu.enqueue_indirect_dma source(%dma_start3A_46 : memref<10240x128xf32, #tpu.memory_space<hbm>>) target(%arg10 : memref<128x128xf32, #tpu.memory_space<vmem>>) offsets(%arg6 : memref<128xi32, #tpu.memory_space<vmem>>) semaphore(%arg13 : memref<!tpu.dma_semaphore, #tpu.memory_space<semaphore_mem>>)
      "tpu.region"() ({
        %run_scoped3A = tpu.sem_alloc : memref<!tpu.dma_semaphore, #tpu.memory_space<semaphore_mem>>
        %dma_start3A_56 = tpu.memref_slice %arg3[%add3A_43] : memref<323584xi32, #tpu.memory_space<hbm>> -> memref<128xi32, #tpu.memory_space<hbm>>
        %dma_start3A_57 = tpu.memref_slice %arg3[%add3A_43] : memref<323584xi32, #tpu.memory_space<hbm>> -> memref<128xi32, #tpu.memory_space<hbm>>
        tpu.enqueue_dma source(%dma_start3A_57 : memref<128xi32, #tpu.memory_space<hbm>>) target(%arg8 : memref<128xi32, #tpu.memory_space<vmem>>) target_semaphore(%run_scoped3A : memref<!tpu.dma_semaphore, #tpu.memory_space<semaphore_mem>>)
        %dma_wait3A_58 = tpu.memref_slice %arg3[%add3A_43] : memref<323584xi32, #tpu.memory_space<hbm>> -> memref<128xi32, #tpu.memory_space<hbm>>
        %dma_wait3A_59 = tpu.memref_slice %arg3[%add3A_43] : memref<323584xi32, #tpu.memory_space<hbm>> -> memref<128xi32, #tpu.memory_space<hbm>>
        tpu.wait_dma2 semaphore(%run_scoped3A : memref<!tpu.dma_semaphore, #tpu.memory_space<semaphore_mem>>) src(%dma_wait3A_59 : memref<128xi32, #tpu.memory_space<hbm>>) dst(%arg8 : memref<128xi32, #tpu.memory_space<vmem>>)
        tpu.yield
      }) : () -> ()
      "tpu.region"() ({
        %run_scoped3A = tpu.sem_alloc : memref<!tpu.dma_semaphore, #tpu.memory_space<semaphore_mem>>
        %dma_start3A_56 = tpu.memref_slice %arg4[%add3A_43] : memref<323584xi32, #tpu.memory_space<hbm>> -> memref<128xi32, #tpu.memory_space<hbm>>
        %dma_start3A_57 = tpu.memref_slice %arg4[%add3A_43] : memref<323584xi32, #tpu.memory_space<hbm>> -> memref<128xi32, #tpu.memory_space<hbm>>
        tpu.enqueue_dma source(%dma_start3A_57 : memref<128xi32, #tpu.memory_space<hbm>>) target(%arg9 : memref<128xi32, #tpu.memory_space<vmem>>) target_semaphore(%run_scoped3A : memref<!tpu.dma_semaphore, #tpu.memory_space<semaphore_mem>>)
        %dma_wait3A_58 = tpu.memref_slice %arg4[%add3A_43] : memref<323584xi32, #tpu.memory_space<hbm>> -> memref<128xi32, #tpu.memory_space<hbm>>
        %dma_wait3A_59 = tpu.memref_slice %arg4[%add3A_43] : memref<323584xi32, #tpu.memory_space<hbm>> -> memref<128xi32, #tpu.memory_space<hbm>>
        tpu.wait_dma2 semaphore(%run_scoped3A : memref<!tpu.dma_semaphore, #tpu.memory_space<semaphore_mem>>) src(%dma_wait3A_59 : memref<128xi32, #tpu.memory_space<hbm>>) dst(%arg9 : memref<128xi32, #tpu.memory_space<vmem>>)
        tpu.yield
      }) : () -> ()
      %dma_start3A_47 = arith.constant 0 : i32
      %dma_start3A_48 = arith.constant 0 : i32
      %dma_start3A_49 = tpu.memref_slice %arg2[%dma_start3A_47, %dma_start3A_48] : memref<10240x128xf32, #tpu.memory_space<hbm>> -> memref<10240x128xf32, #tpu.memory_space<hbm>>
      tpu.enqueue_indirect_dma source(%dma_start3A_49 : memref<10240x128xf32, #tpu.memory_space<hbm>>) target(%arg11 : memref<128x128xf32, #tpu.memory_space<vmem>>) offsets(%arg8 : memref<128xi32, #tpu.memory_space<vmem>>) semaphore(%arg14 : memref<!tpu.dma_semaphore, #tpu.memory_space<semaphore_mem>>)
      %dma_wait3A_50 = arith.constant 0 : i32
      %dma_wait3A_51 = arith.constant 0 : i32
      %dma_wait3A_52 = tpu.memref_slice %arg2[%dma_wait3A_50, %dma_wait3A_51] : memref<10240x128xf32, #tpu.memory_space<hbm>> -> memref<10240x128xf32, #tpu.memory_space<hbm>>
      tpu.wait_indirect_dma semaphore(%arg13 : memref<!tpu.dma_semaphore, #tpu.memory_space<semaphore_mem>>) src(%dma_wait3A_52 : memref<10240x128xf32, #tpu.memory_space<hbm>>) dst(%arg10 : memref<128x128xf32, #tpu.memory_space<vmem>>)
      "tpu.region"() ({
        %run_scoped3A = tpu.sem_alloc : memref<!tpu.dma_semaphore, #tpu.memory_space<semaphore_mem>>
        %dma_start3A_56 = arith.constant 0 : i32
        %dma_start3A_57 = arith.constant 0 : i32
        %dma_start3A_58 = tpu.memref_slice %arg12[%dma_start3A_56, %dma_start3A_57] : memref<10240x128xf32, #tpu.memory_space<vmem_shared>> -> memref<10240x128xf32, #tpu.memory_space<vmem_shared>>
        tpu.enqueue_indirect_dma source(%arg10 : memref<128x128xf32, #tpu.memory_space<vmem>>) target(%dma_start3A_58 : memref<10240x128xf32, #tpu.memory_space<vmem_shared>>) offsets(%arg7 : memref<128xi32, #tpu.memory_space<vmem>>) semaphore(%run_scoped3A : memref<!tpu.dma_semaphore, #tpu.memory_space<semaphore_mem>>) {add = true}
        %dma_wait3A_59 = arith.constant 0 : i32
        %dma_wait3A_60 = arith.constant 0 : i32
        %dma_wait3A_61 = tpu.memref_slice %arg12[%dma_wait3A_59, %dma_wait3A_60] : memref<10240x128xf32, #tpu.memory_space<vmem_shared>> -> memref<10240x128xf32, #tpu.memory_space<vmem_shared>>
        tpu.wait_indirect_dma semaphore(%run_scoped3A : memref<!tpu.dma_semaphore, #tpu.memory_space<semaphore_mem>>) src(%arg10 : memref<128x128xf32, #tpu.memory_space<vmem>>) dst(%dma_wait3A_61 : memref<10240x128xf32, #tpu.memory_space<vmem_shared>>)
        tpu.yield
      }) : () -> ()
      %dma_wait3A_53 = arith.constant 0 : i32
      %dma_wait3A_54 = arith.constant 0 : i32
      %dma_wait3A_55 = tpu.memref_slice %arg2[%dma_wait3A_53, %dma_wait3A_54] : memref<10240x128xf32, #tpu.memory_space<hbm>> -> memref<10240x128xf32, #tpu.memory_space<hbm>>
      tpu.wait_indirect_dma semaphore(%arg14 : memref<!tpu.dma_semaphore, #tpu.memory_space<semaphore_mem>>) src(%dma_wait3A_55 : memref<10240x128xf32, #tpu.memory_space<hbm>>) dst(%arg11 : memref<128x128xf32, #tpu.memory_space<vmem>>)
      "tpu.region"() ({
        %run_scoped3A = tpu.sem_alloc : memref<!tpu.dma_semaphore, #tpu.memory_space<semaphore_mem>>
        %dma_start3A_56 = arith.constant 0 : i32
        %dma_start3A_57 = arith.constant 0 : i32
        %dma_start3A_58 = tpu.memref_slice %arg12[%dma_start3A_56, %dma_start3A_57] : memref<10240x128xf32, #tpu.memory_space<vmem_shared>> -> memref<10240x128xf32, #tpu.memory_space<vmem_shared>>
        tpu.enqueue_indirect_dma source(%arg11 : memref<128x128xf32, #tpu.memory_space<vmem>>) target(%dma_start3A_58 : memref<10240x128xf32, #tpu.memory_space<vmem_shared>>) offsets(%arg9 : memref<128xi32, #tpu.memory_space<vmem>>) semaphore(%run_scoped3A : memref<!tpu.dma_semaphore, #tpu.memory_space<semaphore_mem>>) {add = true}
        %dma_wait3A_59 = arith.constant 0 : i32
        %dma_wait3A_60 = arith.constant 0 : i32
        %dma_wait3A_61 = tpu.memref_slice %arg12[%dma_wait3A_59, %dma_wait3A_60] : memref<10240x128xf32, #tpu.memory_space<vmem_shared>> -> memref<10240x128xf32, #tpu.memory_space<vmem_shared>>
        tpu.wait_indirect_dma semaphore(%run_scoped3A : memref<!tpu.dma_semaphore, #tpu.memory_space<semaphore_mem>>) src(%arg11 : memref<128x128xf32, #tpu.memory_space<vmem>>) dst(%dma_wait3A_61 : memref<10240x128xf32, #tpu.memory_space<vmem_shared>>)
        tpu.yield
      }) : () -> ()
    }
    %scan3A_14 = arith.constant 39 : i32
    %mul3A_15 = arith.constant 79 : i32
    %mul3A_16 = arith.muli %add3A, %mul3A_15 : i32
    %add3A_17 = arith.constant 78 : i32
    %add3A_18 = arith.addi %mul3A_16, %add3A_17 : i32
    %mul3A_19 = arith.constant 128 : i32
    %mul3A_20 = arith.muli %add3A_18, %mul3A_19 : i32
    "tpu.region"() ({
      %run_scoped3A = tpu.sem_alloc : memref<!tpu.dma_semaphore, #tpu.memory_space<semaphore_mem>>
      %dma_start3A_30 = tpu.memref_slice %arg3[%mul3A_20] : memref<323584xi32, #tpu.memory_space<hbm>> -> memref<128xi32, #tpu.memory_space<hbm>>
      %dma_start3A_31 = tpu.memref_slice %arg3[%mul3A_20] : memref<323584xi32, #tpu.memory_space<hbm>> -> memref<128xi32, #tpu.memory_space<hbm>>
      tpu.enqueue_dma source(%dma_start3A_31 : memref<128xi32, #tpu.memory_space<hbm>>) target(%arg6 : memref<128xi32, #tpu.memory_space<vmem>>) target_semaphore(%run_scoped3A : memref<!tpu.dma_semaphore, #tpu.memory_space<semaphore_mem>>)
      %dma_wait3A_32 = tpu.memref_slice %arg3[%mul3A_20] : memref<323584xi32, #tpu.memory_space<hbm>> -> memref<128xi32, #tpu.memory_space<hbm>>
      %dma_wait3A_33 = tpu.memref_slice %arg3[%mul3A_20] : memref<323584xi32, #tpu.memory_space<hbm>> -> memref<128xi32, #tpu.memory_space<hbm>>
      tpu.wait_dma2 semaphore(%run_scoped3A : memref<!tpu.dma_semaphore, #tpu.memory_space<semaphore_mem>>) src(%dma_wait3A_33 : memref<128xi32, #tpu.memory_space<hbm>>) dst(%arg6 : memref<128xi32, #tpu.memory_space<vmem>>)
      tpu.yield
    }) : () -> ()
    "tpu.region"() ({
      %run_scoped3A = tpu.sem_alloc : memref<!tpu.dma_semaphore, #tpu.memory_space<semaphore_mem>>
      %dma_start3A_30 = tpu.memref_slice %arg4[%mul3A_20] : memref<323584xi32, #tpu.memory_space<hbm>> -> memref<128xi32, #tpu.memory_space<hbm>>
      %dma_start3A_31 = tpu.memref_slice %arg4[%mul3A_20] : memref<323584xi32, #tpu.memory_space<hbm>> -> memref<128xi32, #tpu.memory_space<hbm>>
      tpu.enqueue_dma source(%dma_start3A_31 : memref<128xi32, #tpu.memory_space<hbm>>) target(%arg7 : memref<128xi32, #tpu.memory_space<vmem>>) target_semaphore(%run_scoped3A : memref<!tpu.dma_semaphore, #tpu.memory_space<semaphore_mem>>)
      %dma_wait3A_32 = tpu.memref_slice %arg4[%mul3A_20] : memref<323584xi32, #tpu.memory_space<hbm>> -> memref<128xi32, #tpu.memory_space<hbm>>
      %dma_wait3A_33 = tpu.memref_slice %arg4[%mul3A_20] : memref<323584xi32, #tpu.memory_space<hbm>> -> memref<128xi32, #tpu.memory_space<hbm>>
      tpu.wait_dma2 semaphore(%run_scoped3A : memref<!tpu.dma_semaphore, #tpu.memory_space<semaphore_mem>>) src(%dma_wait3A_33 : memref<128xi32, #tpu.memory_space<hbm>>) dst(%arg7 : memref<128xi32, #tpu.memory_space<vmem>>)
      tpu.yield
    }) : () -> ()
    %dma_start3A = arith.constant 0 : i32
    %dma_start3A_21 = arith.constant 0 : i32
    %dma_start3A_22 = tpu.memref_slice %arg2[%dma_start3A, %dma_start3A_21] : memref<10240x128xf32, #tpu.memory_space<hbm>> -> memref<10240x128xf32, #tpu.memory_space<hbm>>
    tpu.enqueue_indirect_dma source(%dma_start3A_22 : memref<10240x128xf32, #tpu.memory_space<hbm>>) target(%arg10 : memref<128x128xf32, #tpu.memory_space<vmem>>) offsets(%arg6 : memref<128xi32, #tpu.memory_space<vmem>>) semaphore(%arg13 : memref<!tpu.dma_semaphore, #tpu.memory_space<semaphore_mem>>)
    %dma_wait3A = arith.constant 0 : i32
    %dma_wait3A_23 = arith.constant 0 : i32
    %dma_wait3A_24 = tpu.memref_slice %arg2[%dma_wait3A, %dma_wait3A_23] : memref<10240x128xf32, #tpu.memory_space<hbm>> -> memref<10240x128xf32, #tpu.memory_space<hbm>>
    tpu.wait_indirect_dma semaphore(%arg13 : memref<!tpu.dma_semaphore, #tpu.memory_space<semaphore_mem>>) src(%dma_wait3A_24 : memref<10240x128xf32, #tpu.memory_space<hbm>>) dst(%arg10 : memref<128x128xf32, #tpu.memory_space<vmem>>)
    "tpu.region"() ({
      %run_scoped3A = tpu.sem_alloc : memref<!tpu.dma_semaphore, #tpu.memory_space<semaphore_mem>>
      %dma_start3A_30 = arith.constant 0 : i32
      %dma_start3A_31 = arith.constant 0 : i32
      %dma_start3A_32 = tpu.memref_slice %arg12[%dma_start3A_30, %dma_start3A_31] : memref<10240x128xf32, #tpu.memory_space<vmem_shared>> -> memref<10240x128xf32, #tpu.memory_space<vmem_shared>>
      tpu.enqueue_indirect_dma source(%arg10 : memref<128x128xf32, #tpu.memory_space<vmem>>) target(%dma_start3A_32 : memref<10240x128xf32, #tpu.memory_space<vmem_shared>>) offsets(%arg7 : memref<128xi32, #tpu.memory_space<vmem>>) semaphore(%run_scoped3A : memref<!tpu.dma_semaphore, #tpu.memory_space<semaphore_mem>>) {add = true}
      %dma_wait3A_33 = arith.constant 0 : i32
      %dma_wait3A_34 = arith.constant 0 : i32
      %dma_wait3A_35 = tpu.memref_slice %arg12[%dma_wait3A_33, %dma_wait3A_34] : memref<10240x128xf32, #tpu.memory_space<vmem_shared>> -> memref<10240x128xf32, #tpu.memory_space<vmem_shared>>
      tpu.wait_indirect_dma semaphore(%run_scoped3A : memref<!tpu.dma_semaphore, #tpu.memory_space<semaphore_mem>>) src(%arg10 : memref<128x128xf32, #tpu.memory_space<vmem>>) dst(%dma_wait3A_35 : memref<10240x128xf32, #tpu.memory_space<vmem_shared>>)
      tpu.yield
    }) : () -> ()
    %barrier3A_25 = arith.constant 0 : index
    tpu.barrier barrier_id(%barrier3A_25)
    %mul3A_26 = arith.constant 640 : i32
    %mul3A_27 = arith.muli %arg1, %mul3A_26 : i32
    %mul3A_28 = arith.constant 640 : i32
    %mul3A_29 = arith.muli %arg1, %mul3A_28 : i32
    "tpu.region"() ({
      %run_scoped3A = tpu.sem_alloc : memref<!tpu.dma_semaphore, #tpu.memory_space<semaphore_mem>>
      %dma_start3A_30 = arith.constant 0 : i32
      %dma_start3A_31 = tpu.memref_slice %arg5[%arg0, %mul3A_29, %dma_start3A_30] : memref<2x10240x128xf32, #tpu.memory_space<hbm>> -> memref<1x640x128xf32, #tpu.memory_space<hbm>>
      %dma_start3A_32 = tpu.memref_squeeze %dma_start3A_31 : memref<1x640x128xf32, #tpu.memory_space<hbm>> -> memref<640x128xf32, #tpu.memory_space<hbm>>
      %dma_start3A_33 = arith.constant 0 : i32
      %dma_start3A_34 = tpu.memref_slice %arg12[%mul3A_27, %dma_start3A_33] : memref<10240x128xf32, #tpu.memory_space<vmem_shared>> -> memref<640x128xf32, #tpu.memory_space<vmem_shared>>
      tpu.enqueue_dma source(%dma_start3A_34 : memref<640x128xf32, #tpu.memory_space<vmem_shared>>) target(%dma_start3A_32 : memref<640x128xf32, #tpu.memory_space<hbm>>) target_semaphore(%run_scoped3A : memref<!tpu.dma_semaphore, #tpu.memory_space<semaphore_mem>>)
      %dma_wait3A_35 = arith.constant 0 : i32
      %dma_wait3A_36 = tpu.memref_slice %arg5[%arg0, %mul3A_29, %dma_wait3A_35] : memref<2x10240x128xf32, #tpu.memory_space<hbm>> -> memref<1x640x128xf32, #tpu.memory_space<hbm>>
      %dma_wait3A_37 = tpu.memref_squeeze %dma_wait3A_36 : memref<1x640x128xf32, #tpu.memory_space<hbm>> -> memref<640x128xf32, #tpu.memory_space<hbm>>
      %dma_wait3A_38 = arith.constant 0 : i32
      %dma_wait3A_39 = tpu.memref_slice %arg12[%mul3A_27, %dma_wait3A_38] : memref<10240x128xf32, #tpu.memory_space<vmem_shared>> -> memref<640x128xf32, #tpu.memory_space<vmem_shared>>
      tpu.wait_dma2 semaphore(%run_scoped3A : memref<!tpu.dma_semaphore, #tpu.memory_space<semaphore_mem>>) src(%dma_wait3A_39 : memref<640x128xf32, #tpu.memory_space<vmem_shared>>) dst(%dma_wait3A_37 : memref<640x128xf32, #tpu.memory_space<hbm>>)
      tpu.yield
    }) : () -> ()
    return
  }
}

#map = affine_map<(d0, d1) -> (0, 0)>
#map1 = affine_map<(d0, d1) -> (0)>
#map2 = affine_map<(d0, d1) -> (0, 0, 0)>
module attributes {stable_mosaic.version = 14 : i64} {
  func.func @_agg_body(%arg0: i32, %arg1: i32, %arg2: memref<10240x128xf32, #tpu.memory_space<hbm>>, %arg3: memref<323584xi32, #tpu.memory_space<hbm>>, %arg4: memref<323584xi32, #tpu.memory_space<hbm>>, %arg5: memref<2x10240x128xf32, #tpu.memory_space<hbm>>, %arg6: memref<128xi32, #tpu.memory_space<vmem>>, %arg7: memref<128xi32, #tpu.memory_space<vmem>>, %arg8: memref<128xi32, #tpu.memory_space<vmem>>, %arg9: memref<128xi32, #tpu.memory_space<vmem>>, %arg10: memref<128x128xf32, #tpu.memory_space<vmem>>, %arg11: memref<128x128xf32, #tpu.memory_space<vmem>>, %arg12: memref<10240x128xf32, #tpu.memory_space<vmem_shared>>, %arg13: memref<!tpu.dma_semaphore, #tpu.memory_space<semaphore_mem>>, %arg14: memref<!tpu.dma_semaphore, #tpu.memory_space<semaphore_mem>>) attributes {dimension_semantics = [#tpu.dimension_semantics<core_parallel>, #tpu.dimension_semantics<subcore_parallel>], iteration_bounds = array<i64: 2, 16>, scalar_prefetch = 0 : i64, scratch_operands = 9 : i64, tpu.core_type = #tpu.core_type<sc_vector_subcore>, window_params = [{transform_indices = #map}, {transform_indices = #map1}, {transform_indices = #map1}, {transform_indices = #map2}]} {
    %mul3A = arith.constant 2 : i32
    %mul3A_0 = arith.muli %arg1, %mul3A : i32
    %add3A = arith.addi %mul3A_0, %arg0 : i32
    %scan3A = arith.constant 0 : i32
    %scan3A_1 = arith.constant 128 : i32
    %scan3A_2 = arith.addi %scan3A, %scan3A_1 : i32
    %scan3A_3 = arith.constant 1 : i32
    scf.for %scan3A_30 = %scan3A to %scan3A_2 step %scan3A_3  : i32 {
      %mul3A_31 = arith.constant 1 : i32
      %mul3A_32 = arith.muli %scan3A_30, %mul3A_31 : i32
      %add3A_33 = arith.constant 0 : i32
      %add3A_34 = arith.addi %add3A_33, %mul3A_32 : i32
      %scan3A_35 = arith.constant 0 : i32
      %scan3A_36 = arith.constant 8 : i32
      %scan3A_37 = arith.addi %scan3A_35, %scan3A_36 : i32
      %scan3A_38 = arith.constant 1 : i32
      scf.for %scan3A_40 = %scan3A_35 to %scan3A_37 step %scan3A_38  : i32 {
        %mul3A_41 = arith.constant 1 : i32
        %mul3A_42 = arith.muli %scan3A_40, %mul3A_41 : i32
        %add3A_43 = arith.constant 0 : i32
        %add3A_44 = arith.addi %add3A_43, %mul3A_42 : i32
        %broadcast_in_dim3A = arith.constant 0.000000e+00 : f32
        %broadcast_in_dim3A_45 = vector.broadcast %broadcast_in_dim3A : f32 to vector<16xf32>
        %mul3A_46 = arith.constant 16 : i32
        %mul3A_47 = arith.muli %add3A_44, %mul3A_46 : i32
        %swap3A = arith.index_cast %add3A_34 : i32 to index
        %swap3A_48 = arith.index_cast %mul3A_47 : i32 to index
        %swap3A_49 = tpu.vector_load %arg10[%swap3A, %swap3A_48] {strides = array<i32>} : memref<128x128xf32, #tpu.memory_space<vmem>>, vector<1x16xf32>,
        %swap3A_50 = vector.shape_cast %swap3A_49 : vector<1x16xf32> to vector<16xf32>
        %swap3A_51 = vector.shape_cast %broadcast_in_dim3A_45 : vector<16xf32> to vector<1x16xf32>
        tpu.vector_store %arg10[%swap3A, %swap3A_48], %swap3A_51 {strides = array<i32>} : memref<128x128xf32, #tpu.memory_space<vmem>>, vector<1x16xf32>,
      }
      %scan3A_39 = arith.constant 8 : i32
    }
    %scan3A_4 = arith.constant 128 : i32
    %scan3A_5 = arith.constant 0 : i32
    %scan3A_6 = arith.constant 5 : i32
    %scan3A_7 = arith.addi %scan3A_5, %scan3A_6 : i32
    %scan3A_8 = arith.constant 1 : i32
    scf.for %scan3A_30 = %scan3A_5 to %scan3A_7 step %scan3A_8  : i32 {
      %mul3A_31 = arith.constant 1 : i32
      %mul3A_32 = arith.muli %scan3A_30, %mul3A_31 : i32
      %add3A_33 = arith.constant 0 : i32
      %add3A_34 = arith.addi %add3A_33, %mul3A_32 : i32
      %mul3A_35 = arith.constant 640 : i32
      %mul3A_36 = arith.muli %arg1, %mul3A_35 : i32
      %mul3A_37 = arith.constant 128 : i32
      %mul3A_38 = arith.muli %add3A_34, %mul3A_37 : i32
      %add3A_39 = arith.addi %mul3A_36, %mul3A_38 : i32
      "tpu.region"() ({
        %run_scoped3A = tpu.sem_alloc : memref<!tpu.dma_semaphore, #tpu.memory_space<semaphore_mem>>
        %dma_start3A_40 = arith.constant 0 : i32
        %dma_start3A_41 = tpu.memref_slice %arg12[%add3A_39, %dma_start3A_40] : memref<10240x128xf32, #tpu.memory_space<vmem_shared>> -> memref<128x128xf32, #tpu.memory_space<vmem_shared>>
        %dma_start3A_42 = arith.constant 0 : i32
        %dma_start3A_43 = tpu.memref_slice %arg12[%add3A_39, %dma_start3A_42] : memref<10240x128xf32, #tpu.memory_space<vmem_shared>> -> memref<128x128xf32, #tpu.memory_space<vmem_shared>>
        tpu.enqueue_dma source(%arg10 : memref<128x128xf32, #tpu.memory_space<vmem>>) target(%dma_start3A_43 : memref<128x128xf32, #tpu.memory_space<vmem_shared>>) target_semaphore(%run_scoped3A : memref<!tpu.dma_semaphore, #tpu.memory_space<semaphore_mem>>)
        %dma_wait3A_44 = arith.constant 0 : i32
        %dma_wait3A_45 = tpu.memref_slice %arg12[%add3A_39, %dma_wait3A_44] : memref<10240x128xf32, #tpu.memory_space<vmem_shared>> -> memref<128x128xf32, #tpu.memory_space<vmem_shared>>
        %dma_wait3A_46 = arith.constant 0 : i32
        %dma_wait3A_47 = tpu.memref_slice %arg12[%add3A_39, %dma_wait3A_46] : memref<10240x128xf32, #tpu.memory_space<vmem_shared>> -> memref<128x128xf32, #tpu.memory_space<vmem_shared>>
        tpu.wait_dma2 semaphore(%run_scoped3A : memref<!tpu.dma_semaphore, #tpu.memory_space<semaphore_mem>>) src(%arg10 : memref<128x128xf32, #tpu.memory_space<vmem>>) dst(%dma_wait3A_47 : memref<128x128xf32, #tpu.memory_space<vmem_shared>>)
        tpu.yield
      }) : () -> ()
    }
    %scan3A_9 = arith.constant 5 : i32
    %barrier3A = arith.constant 0 : index
    tpu.barrier barrier_id(%barrier3A)
    %scan3A_10 = arith.constant 0 : i32
    %scan3A_11 = arith.constant 39 : i32
    %scan3A_12 = arith.addi %scan3A_10, %scan3A_11 : i32
    %scan3A_13 = arith.constant 1 : i32
    scf.for %scan3A_30 = %scan3A_10 to %scan3A_12 step %scan3A_13  : i32 {
      %mul3A_31 = arith.constant 1 : i32
      %mul3A_32 = arith.muli %scan3A_30, %mul3A_31 : i32
      %add3A_33 = arith.constant 0 : i32
      %add3A_34 = arith.addi %add3A_33, %mul3A_32 : i32
      %mul3A_35 = arith.constant 79 : i32
      %mul3A_36 = arith.muli %add3A, %mul3A_35 : i32
      %mul3A_37 = arith.constant 2 : i32
      %mul3A_38 = arith.muli %mul3A_37, %add3A_34 : i32
      %add3A_39 = arith.addi %mul3A_36, %mul3A_38 : i32
      %mul3A_40 = arith.constant 128 : i32
      %mul3A_41 = arith.muli %add3A_39, %mul3A_40 : i32
      %add3A_42 = arith.constant 128 : i32
      %add3A_43 = arith.addi %mul3A_41, %add3A_42 : i32
      "tpu.region"() ({
        %run_scoped3A = tpu.sem_alloc : memref<!tpu.dma_semaphore, #tpu.memory_space<semaphore_mem>>
        %dma_start3A_56 = tpu.memref_slice %arg3[%mul3A_41] : memref<323584xi32, #tpu.memory_space<hbm>> -> memref<128xi32, #tpu.memory_space<hbm>>
        %dma_start3A_57 = tpu.memref_slice %arg3[%mul3A_41] : memref<323584xi32, #tpu.memory_space<hbm>> -> memref<128xi32, #tpu.memory_space<hbm>>
        tpu.enqueue_dma source(%dma_start3A_57 : memref<128xi32, #tpu.memory_space<hbm>>) target(%arg6 : memref<128xi32, #tpu.memory_space<vmem>>) target_semaphore(%run_scoped3A : memref<!tpu.dma_semaphore, #tpu.memory_space<semaphore_mem>>)
        %dma_wait3A_58 = tpu.memref_slice %arg3[%mul3A_41] : memref<323584xi32, #tpu.memory_space<hbm>> -> memref<128xi32, #tpu.memory_space<hbm>>
        %dma_wait3A_59 = tpu.memref_slice %arg3[%mul3A_41] : memref<323584xi32, #tpu.memory_space<hbm>> -> memref<128xi32, #tpu.memory_space<hbm>>
        tpu.wait_dma2 semaphore(%run_scoped3A : memref<!tpu.dma_semaphore, #tpu.memory_space<semaphore_mem>>) src(%dma_wait3A_59 : memref<128xi32, #tpu.memory_space<hbm>>) dst(%arg6 : memref<128xi32, #tpu.memory_space<vmem>>)
        tpu.yield
      }) : () -> ()
      "tpu.region"() ({
        %run_scoped3A = tpu.sem_alloc : memref<!tpu.dma_semaphore, #tpu.memory_space<semaphore_mem>>
        %dma_start3A_56 = tpu.memref_slice %arg4[%mul3A_41] : memref<323584xi32, #tpu.memory_space<hbm>> -> memref<128xi32, #tpu.memory_space<hbm>>
        %dma_start3A_57 = tpu.memref_slice %arg4[%mul3A_41] : memref<323584xi32, #tpu.memory_space<hbm>> -> memref<128xi32, #tpu.memory_space<hbm>>
        tpu.enqueue_dma source(%dma_start3A_57 : memref<128xi32, #tpu.memory_space<hbm>>) target(%arg7 : memref<128xi32, #tpu.memory_space<vmem>>) target_semaphore(%run_scoped3A : memref<!tpu.dma_semaphore, #tpu.memory_space<semaphore_mem>>)
        %dma_wait3A_58 = tpu.memref_slice %arg4[%mul3A_41] : memref<323584xi32, #tpu.memory_space<hbm>> -> memref<128xi32, #tpu.memory_space<hbm>>
        %dma_wait3A_59 = tpu.memref_slice %arg4[%mul3A_41] : memref<323584xi32, #tpu.memory_space<hbm>> -> memref<128xi32, #tpu.memory_space<hbm>>
        tpu.wait_dma2 semaphore(%run_scoped3A : memref<!tpu.dma_semaphore, #tpu.memory_space<semaphore_mem>>) src(%dma_wait3A_59 : memref<128xi32, #tpu.memory_space<hbm>>) dst(%arg7 : memref<128xi32, #tpu.memory_space<vmem>>)
        tpu.yield
      }) : () -> ()
      %dma_start3A_44 = arith.constant 0 : i32
      %dma_start3A_45 = arith.constant 0 : i32
      %dma_start3A_46 = tpu.memref_slice %arg2[%dma_start3A_44, %dma_start3A_45] : memref<10240x128xf32, #tpu.memory_space<hbm>> -> memref<10240x128xf32, #tpu.memory_space<hbm>>
      tpu.enqueue_indirect_dma source(%dma_start3A_46 : memref<10240x128xf32, #tpu.memory_space<hbm>>) target(%arg10 : memref<128x128xf32, #tpu.memory_space<vmem>>) offsets(%arg6 : memref<128xi32, #tpu.memory_space<vmem>>) semaphore(%arg13 : memref<!tpu.dma_semaphore, #tpu.memory_space<semaphore_mem>>)
      "tpu.region"() ({
        %run_scoped3A = tpu.sem_alloc : memref<!tpu.dma_semaphore, #tpu.memory_space<semaphore_mem>>
        %dma_start3A_56 = tpu.memref_slice %arg3[%add3A_43] : memref<323584xi32, #tpu.memory_space<hbm>> -> memref<128xi32, #tpu.memory_space<hbm>>
        %dma_start3A_57 = tpu.memref_slice %arg3[%add3A_43] : memref<323584xi32, #tpu.memory_space<hbm>> -> memref<128xi32, #tpu.memory_space<hbm>>
        tpu.enqueue_dma source(%dma_start3A_57 : memref<128xi32, #tpu.memory_space<hbm>>) target(%arg8 : memref<128xi32, #tpu.memory_space<vmem>>) target_semaphore(%run_scoped3A : memref<!tpu.dma_semaphore, #tpu.memory_space<semaphore_mem>>)
        %dma_wait3A_58 = tpu.memref_slice %arg3[%add3A_43] : memref<323584xi32, #tpu.memory_space<hbm>> -> memref<128xi32, #tpu.memory_space<hbm>>
        %dma_wait3A_59 = tpu.memref_slice %arg3[%add3A_43] : memref<323584xi32, #tpu.memory_space<hbm>> -> memref<128xi32, #tpu.memory_space<hbm>>
        tpu.wait_dma2 semaphore(%run_scoped3A : memref<!tpu.dma_semaphore, #tpu.memory_space<semaphore_mem>>) src(%dma_wait3A_59 : memref<128xi32, #tpu.memory_space<hbm>>) dst(%arg8 : memref<128xi32, #tpu.memory_space<vmem>>)
        tpu.yield
      }) : () -> ()
      "tpu.region"() ({
        %run_scoped3A = tpu.sem_alloc : memref<!tpu.dma_semaphore, #tpu.memory_space<semaphore_mem>>
        %dma_start3A_56 = tpu.memref_slice %arg4[%add3A_43] : memref<323584xi32, #tpu.memory_space<hbm>> -> memref<128xi32, #tpu.memory_space<hbm>>
        %dma_start3A_57 = tpu.memref_slice %arg4[%add3A_43] : memref<323584xi32, #tpu.memory_space<hbm>> -> memref<128xi32, #tpu.memory_space<hbm>>
        tpu.enqueue_dma source(%dma_start3A_57 : memref<128xi32, #tpu.memory_space<hbm>>) target(%arg9 : memref<128xi32, #tpu.memory_space<vmem>>) target_semaphore(%run_scoped3A : memref<!tpu.dma_semaphore, #tpu.memory_space<semaphore_mem>>)
        %dma_wait3A_58 = tpu.memref_slice %arg4[%add3A_43] : memref<323584xi32, #tpu.memory_space<hbm>> -> memref<128xi32, #tpu.memory_space<hbm>>
        %dma_wait3A_59 = tpu.memref_slice %arg4[%add3A_43] : memref<323584xi32, #tpu.memory_space<hbm>> -> memref<128xi32, #tpu.memory_space<hbm>>
        tpu.wait_dma2 semaphore(%run_scoped3A : memref<!tpu.dma_semaphore, #tpu.memory_space<semaphore_mem>>) src(%dma_wait3A_59 : memref<128xi32, #tpu.memory_space<hbm>>) dst(%arg9 : memref<128xi32, #tpu.memory_space<vmem>>)
        tpu.yield
      }) : () -> ()
      %dma_start3A_47 = arith.constant 0 : i32
      %dma_start3A_48 = arith.constant 0 : i32
      %dma_start3A_49 = tpu.memref_slice %arg2[%dma_start3A_47, %dma_start3A_48] : memref<10240x128xf32, #tpu.memory_space<hbm>> -> memref<10240x128xf32, #tpu.memory_space<hbm>>
      tpu.enqueue_indirect_dma source(%dma_start3A_49 : memref<10240x128xf32, #tpu.memory_space<hbm>>) target(%arg11 : memref<128x128xf32, #tpu.memory_space<vmem>>) offsets(%arg8 : memref<128xi32, #tpu.memory_space<vmem>>) semaphore(%arg14 : memref<!tpu.dma_semaphore, #tpu.memory_space<semaphore_mem>>)
      %dma_wait3A_50 = arith.constant 0 : i32
      %dma_wait3A_51 = arith.constant 0 : i32
      %dma_wait3A_52 = tpu.memref_slice %arg2[%dma_wait3A_50, %dma_wait3A_51] : memref<10240x128xf32, #tpu.memory_space<hbm>> -> memref<10240x128xf32, #tpu.memory_space<hbm>>
      tpu.wait_indirect_dma semaphore(%arg13 : memref<!tpu.dma_semaphore, #tpu.memory_space<semaphore_mem>>) src(%dma_wait3A_52 : memref<10240x128xf32, #tpu.memory_space<hbm>>) dst(%arg10 : memref<128x128xf32, #tpu.memory_space<vmem>>)
      "tpu.region"() ({
        %run_scoped3A = tpu.sem_alloc : memref<!tpu.dma_semaphore, #tpu.memory_space<semaphore_mem>>
        %dma_start3A_56 = arith.constant 0 : i32
        %dma_start3A_57 = arith.constant 0 : i32
        %dma_start3A_58 = tpu.memref_slice %arg12[%dma_start3A_56, %dma_start3A_57] : memref<10240x128xf32, #tpu.memory_space<vmem_shared>> -> memref<10240x128xf32, #tpu.memory_space<vmem_shared>>
        tpu.enqueue_indirect_dma source(%arg10 : memref<128x128xf32, #tpu.memory_space<vmem>>) target(%dma_start3A_58 : memref<10240x128xf32, #tpu.memory_space<vmem_shared>>) offsets(%arg7 : memref<128xi32, #tpu.memory_space<vmem>>) semaphore(%run_scoped3A : memref<!tpu.dma_semaphore, #tpu.memory_space<semaphore_mem>>) {add = true}
        %dma_wait3A_59 = arith.constant 0 : i32
        %dma_wait3A_60 = arith.constant 0 : i32
        %dma_wait3A_61 = tpu.memref_slice %arg12[%dma_wait3A_59, %dma_wait3A_60] : memref<10240x128xf32, #tpu.memory_space<vmem_shared>> -> memref<10240x128xf32, #tpu.memory_space<vmem_shared>>
        tpu.wait_indirect_dma semaphore(%run_scoped3A : memref<!tpu.dma_semaphore, #tpu.memory_space<semaphore_mem>>) src(%arg10 : memref<128x128xf32, #tpu.memory_space<vmem>>) dst(%dma_wait3A_61 : memref<10240x128xf32, #tpu.memory_space<vmem_shared>>)
        tpu.yield
      }) : () -> ()
      %dma_wait3A_53 = arith.constant 0 : i32
      %dma_wait3A_54 = arith.constant 0 : i32
      %dma_wait3A_55 = tpu.memref_slice %arg2[%dma_wait3A_53, %dma_wait3A_54] : memref<10240x128xf32, #tpu.memory_space<hbm>> -> memref<10240x128xf32, #tpu.memory_space<hbm>>
      tpu.wait_indirect_dma semaphore(%arg14 : memref<!tpu.dma_semaphore, #tpu.memory_space<semaphore_mem>>) src(%dma_wait3A_55 : memref<10240x128xf32, #tpu.memory_space<hbm>>) dst(%arg11 : memref<128x128xf32, #tpu.memory_space<vmem>>)
      "tpu.region"() ({
        %run_scoped3A = tpu.sem_alloc : memref<!tpu.dma_semaphore, #tpu.memory_space<semaphore_mem>>
        %dma_start3A_56 = arith.constant 0 : i32
        %dma_start3A_57 = arith.constant 0 : i32
        %dma_start3A_58 = tpu.memref_slice %arg12[%dma_start3A_56, %dma_start3A_57] : memref<10240x128xf32, #tpu.memory_space<vmem_shared>> -> memref<10240x128xf32, #tpu.memory_space<vmem_shared>>
        tpu.enqueue_indirect_dma source(%arg11 : memref<128x128xf32, #tpu.memory_space<vmem>>) target(%dma_start3A_58 : memref<10240x128xf32, #tpu.memory_space<vmem_shared>>) offsets(%arg9 : memref<128xi32, #tpu.memory_space<vmem>>) semaphore(%run_scoped3A : memref<!tpu.dma_semaphore, #tpu.memory_space<semaphore_mem>>) {add = true}
        %dma_wait3A_59 = arith.constant 0 : i32
        %dma_wait3A_60 = arith.constant 0 : i32
        %dma_wait3A_61 = tpu.memref_slice %arg12[%dma_wait3A_59, %dma_wait3A_60] : memref<10240x128xf32, #tpu.memory_space<vmem_shared>> -> memref<10240x128xf32, #tpu.memory_space<vmem_shared>>
        tpu.wait_indirect_dma semaphore(%run_scoped3A : memref<!tpu.dma_semaphore, #tpu.memory_space<semaphore_mem>>) src(%arg11 : memref<128x128xf32, #tpu.memory_space<vmem>>) dst(%dma_wait3A_61 : memref<10240x128xf32, #tpu.memory_space<vmem_shared>>)
        tpu.yield
      }) : () -> ()
    }
    %scan3A_14 = arith.constant 39 : i32
    %mul3A_15 = arith.constant 79 : i32
    %mul3A_16 = arith.muli %add3A, %mul3A_15 : i32
    %add3A_17 = arith.constant 78 : i32
    %add3A_18 = arith.addi %mul3A_16, %add3A_17 : i32
    %mul3A_19 = arith.constant 128 : i32
    %mul3A_20 = arith.muli %add3A_18, %mul3A_19 : i32
    "tpu.region"() ({
      %run_scoped3A = tpu.sem_alloc : memref<!tpu.dma_semaphore, #tpu.memory_space<semaphore_mem>>
      %dma_start3A_30 = tpu.memref_slice %arg3[%mul3A_20] : memref<323584xi32, #tpu.memory_space<hbm>> -> memref<128xi32, #tpu.memory_space<hbm>>
      %dma_start3A_31 = tpu.memref_slice %arg3[%mul3A_20] : memref<323584xi32, #tpu.memory_space<hbm>> -> memref<128xi32, #tpu.memory_space<hbm>>
      tpu.enqueue_dma source(%dma_start3A_31 : memref<128xi32, #tpu.memory_space<hbm>>) target(%arg6 : memref<128xi32, #tpu.memory_space<vmem>>) target_semaphore(%run_scoped3A : memref<!tpu.dma_semaphore, #tpu.memory_space<semaphore_mem>>)
      %dma_wait3A_32 = tpu.memref_slice %arg3[%mul3A_20] : memref<323584xi32, #tpu.memory_space<hbm>> -> memref<128xi32, #tpu.memory_space<hbm>>
      %dma_wait3A_33 = tpu.memref_slice %arg3[%mul3A_20] : memref<323584xi32, #tpu.memory_space<hbm>> -> memref<128xi32, #tpu.memory_space<hbm>>
      tpu.wait_dma2 semaphore(%run_scoped3A : memref<!tpu.dma_semaphore, #tpu.memory_space<semaphore_mem>>) src(%dma_wait3A_33 : memref<128xi32, #tpu.memory_space<hbm>>) dst(%arg6 : memref<128xi32, #tpu.memory_space<vmem>>)
      tpu.yield
    }) : () -> ()
    "tpu.region"() ({
      %run_scoped3A = tpu.sem_alloc : memref<!tpu.dma_semaphore, #tpu.memory_space<semaphore_mem>>
      %dma_start3A_30 = tpu.memref_slice %arg4[%mul3A_20] : memref<323584xi32, #tpu.memory_space<hbm>> -> memref<128xi32, #tpu.memory_space<hbm>>
      %dma_start3A_31 = tpu.memref_slice %arg4[%mul3A_20] : memref<323584xi32, #tpu.memory_space<hbm>> -> memref<128xi32, #tpu.memory_space<hbm>>
      tpu.enqueue_dma source(%dma_start3A_31 : memref<128xi32, #tpu.memory_space<hbm>>) target(%arg7 : memref<128xi32, #tpu.memory_space<vmem>>) target_semaphore(%run_scoped3A : memref<!tpu.dma_semaphore, #tpu.memory_space<semaphore_mem>>)
      %dma_wait3A_32 = tpu.memref_slice %arg4[%mul3A_20] : memref<323584xi32, #tpu.memory_space<hbm>> -> memref<128xi32, #tpu.memory_space<hbm>>
      %dma_wait3A_33 = tpu.memref_slice %arg4[%mul3A_20] : memref<323584xi32, #tpu.memory_space<hbm>> -> memref<128xi32, #tpu.memory_space<hbm>>
      tpu.wait_dma2 semaphore(%run_scoped3A : memref<!tpu.dma_semaphore, #tpu.memory_space<semaphore_mem>>) src(%dma_wait3A_33 : memref<128xi32, #tpu.memory_space<hbm>>) dst(%arg7 : memref<128xi32, #tpu.memory_space<vmem>>)
      tpu.yield
    }) : () -> ()
    %dma_start3A = arith.constant 0 : i32
    %dma_start3A_21 = arith.constant 0 : i32
    %dma_start3A_22 = tpu.memref_slice %arg2[%dma_start3A, %dma_start3A_21] : memref<10240x128xf32, #tpu.memory_space<hbm>> -> memref<10240x128xf32, #tpu.memory_space<hbm>>
    tpu.enqueue_indirect_dma source(%dma_start3A_22 : memref<10240x128xf32, #tpu.memory_space<hbm>>) target(%arg10 : memref<128x128xf32, #tpu.memory_space<vmem>>) offsets(%arg6 : memref<128xi32, #tpu.memory_space<vmem>>) semaphore(%arg13 : memref<!tpu.dma_semaphore, #tpu.memory_space<semaphore_mem>>)
    %dma_wait3A = arith.constant 0 : i32
    %dma_wait3A_23 = arith.constant 0 : i32
    %dma_wait3A_24 = tpu.memref_slice %arg2[%dma_wait3A, %dma_wait3A_23] : memref<10240x128xf32, #tpu.memory_space<hbm>> -> memref<10240x128xf32, #tpu.memory_space<hbm>>
    tpu.wait_indirect_dma semaphore(%arg13 : memref<!tpu.dma_semaphore, #tpu.memory_space<semaphore_mem>>) src(%dma_wait3A_24 : memref<10240x128xf32, #tpu.memory_space<hbm>>) dst(%arg10 : memref<128x128xf32, #tpu.memory_space<vmem>>)
    "tpu.region"() ({
      %run_scoped3A = tpu.sem_alloc : memref<!tpu.dma_semaphore, #tpu.memory_space<semaphore_mem>>
      %dma_start3A_30 = arith.constant 0 : i32
      %dma_start3A_31 = arith.constant 0 : i32
      %dma_start3A_32 = tpu.memref_slice %arg12[%dma_start3A_30, %dma_start3A_31] : memref<10240x128xf32, #tpu.memory_space<vmem_shared>> -> memref<10240x128xf32, #tpu.memory_space<vmem_shared>>
      tpu.enqueue_indirect_dma source(%arg10 : memref<128x128xf32, #tpu.memory_space<vmem>>) target(%dma_start3A_32 : memref<10240x128xf32, #tpu.memory_space<vmem_shared>>) offsets(%arg7 : memref<128xi32, #tpu.memory_space<vmem>>) semaphore(%run_scoped3A : memref<!tpu.dma_semaphore, #tpu.memory_space<semaphore_mem>>) {add = true}
      %dma_wait3A_33 = arith.constant 0 : i32
      %dma_wait3A_34 = arith.constant 0 : i32
      %dma_wait3A_35 = tpu.memref_slice %arg12[%dma_wait3A_33, %dma_wait3A_34] : memref<10240x128xf32, #tpu.memory_space<vmem_shared>> -> memref<10240x128xf32, #tpu.memory_space<vmem_shared>>
      tpu.wait_indirect_dma semaphore(%run_scoped3A : memref<!tpu.dma_semaphore, #tpu.memory_space<semaphore_mem>>) src(%arg10 : memref<128x128xf32, #tpu.memory_space<vmem>>) dst(%dma_wait3A_35 : memref<10240x128xf32, #tpu.memory_space<vmem_shared>>)
      tpu.yield
    }) : () -> ()
    %barrier3A_25 = arith.constant 0 : index
    tpu.barrier barrier_id(%barrier3A_25)
    %mul3A_26 = arith.constant 640 : i32
    %mul3A_27 = arith.muli %arg1, %mul3A_26 : i32
    %mul3A_28 = arith.constant 640 : i32
    %mul3A_29 = arith.muli %arg1, %mul3A_28 : i32
    "tpu.region"() ({
      %run_scoped3A = tpu.sem_alloc : memref<!tpu.dma_semaphore, #tpu.memory_space<semaphore_mem>>
      %dma_start3A_30 = arith.constant 0 : i32
      %dma_start3A_31 = tpu.memref_slice %arg5[%arg0, %mul3A_29, %dma_start3A_30] : memref<2x10240x128xf32, #tpu.memory_space<hbm>> -> memref<1x640x128xf32, #tpu.memory_space<hbm>>
      %dma_start3A_32 = tpu.memref_squeeze %dma_start3A_31 : memref<1x640x128xf32, #tpu.memory_space<hbm>> -> memref<640x128xf32, #tpu.memory_space<hbm>>
      %dma_start3A_33 = arith.constant 0 : i32
      %dma_start3A_34 = tpu.memref_slice %arg12[%mul3A_27, %dma_start3A_33] : memref<10240x128xf32, #tpu.memory_space<vmem_shared>> -> memref<640x128xf32, #tpu.memory_space<vmem_shared>>
      tpu.enqueue_dma source(%dma_start3A_34 : memref<640x128xf32, #tpu.memory_space<vmem_shared>>) target(%dma_start3A_32 : memref<640x128xf32, #tpu.memory_space<hbm>>) target_semaphore(%run_scoped3A : memref<!tpu.dma_semaphore, #tpu.memory_space<semaphore_mem>>)
      %dma_wait3A_35 = arith.constant 0 : i32
      %dma_wait3A_36 = tpu.memref_slice %arg5[%arg0, %mul3A_29, %dma_wait3A_35] : memref<2x10240x128xf32, #tpu.memory_space<hbm>> -> memref<1x640x128xf32, #tpu.memory_space<hbm>>
      %dma_wait3A_37 = tpu.memref_squeeze %dma_wait3A_36 : memref<1x640x128xf32, #tpu.memory_space<hbm>> -> memref<640x128xf32, #tpu.memory_space<hbm>>
      %dma_wait3A_38 = arith.constant 0 : i32
      %dma_wait3A_39 = tpu.memref_slice %arg12[%mul3A_27, %dma_wait3A_38] : memref<10240x128xf32, #tpu.memory_space<vmem_shared>> -> memref<640x128xf32, #tpu.memory_space<vmem_shared>>
      tpu.wait_dma2 semaphore(%run_scoped3A : memref<!tpu.dma_semaphore, #tpu.memory_space<semaphore_mem>>) src(%dma_wait3A_39 : memref<640x128xf32, #tpu.memory_space<vmem_shared>>) dst(%dma_wait3A_37 : memref<640x128xf32, #tpu.memory_space<hbm>>)
      tpu.yield
    }) : () -> ()
    return
  }
}

#map = affine_map<(d0, d1) -> (0)>
#map1 = affine_map<(d0, d1) -> (0, 0)>
module attributes {stable_mosaic.version = 14 : i64} {
  func.func @_deg_body(%arg0: i32, %arg1: i32, %arg2: memref<323584xi32, #tpu.memory_space<hbm>>, %arg3: memref<2x10240xf32, #tpu.memory_space<hbm>>, %arg4: memref<128xf32, #tpu.memory_space<vmem>>, %arg5: memref<128xi32, #tpu.memory_space<vmem>>, %arg6: memref<128xi32, #tpu.memory_space<vmem>>, %arg7: memref<640xf32, #tpu.memory_space<vmem>>, %arg8: memref<10240xf32, #tpu.memory_space<vmem_shared>>, %arg9: memref<!tpu.dma_semaphore, #tpu.memory_space<semaphore_mem>>, %arg10: memref<!tpu.dma_semaphore, #tpu.memory_space<semaphore_mem>>) attributes {dimension_semantics = [#tpu.dimension_semantics<core_parallel>, #tpu.dimension_semantics<subcore_parallel>], iteration_bounds = array<i64: 2, 16>, scalar_prefetch = 0 : i64, scratch_operands = 7 : i64, tpu.core_type = #tpu.core_type<sc_vector_subcore>, window_params = [{transform_indices = #map}, {transform_indices = #map1}]} {
    %mul3A = arith.constant 2 : i32
    %mul3A_0 = arith.muli %arg1, %mul3A : i32
    %add3A = arith.addi %mul3A_0, %arg0 : i32
    %scan3A = arith.constant 0 : i32
    %scan3A_1 = arith.constant 8 : i32
    %scan3A_2 = arith.addi %scan3A, %scan3A_1 : i32
    %scan3A_3 = arith.constant 1 : i32
    scf.for %scan3A_28 = %scan3A to %scan3A_2 step %scan3A_3  : i32 {
      %mul3A_29 = arith.constant 1 : i32
      %mul3A_30 = arith.muli %scan3A_28, %mul3A_29 : i32
      %add3A_31 = arith.constant 0 : i32
      %add3A_32 = arith.addi %add3A_31, %mul3A_30 : i32
      %broadcast_in_dim3A = arith.constant 1.000000e+00 : f32
      %broadcast_in_dim3A_33 = vector.broadcast %broadcast_in_dim3A : f32 to vector<16xf32>
      %mul3A_34 = arith.constant 16 : i32
      %mul3A_35 = arith.muli %add3A_32, %mul3A_34 : i32
      %swap3A = arith.index_cast %mul3A_35 : i32 to index
      %swap3A_36 = tpu.vector_load %arg4[%swap3A] {strides = array<i32>} : memref<128xf32, #tpu.memory_space<vmem>>, vector<16xf32>,
      %swap3A_37 = vector.shape_cast %swap3A_36 : vector<16xf32> to vector<16xf32>
      %swap3A_38 = vector.shape_cast %broadcast_in_dim3A_33 : vector<16xf32> to vector<16xf32>
      tpu.vector_store %arg4[%swap3A], %swap3A_38 {strides = array<i32>} : memref<128xf32, #tpu.memory_space<vmem>>, vector<16xf32>,
    }
    %scan3A_4 = arith.constant 8 : i32
    %scan3A_5 = arith.constant 0 : i32
    %scan3A_6 = arith.constant 40 : i32
    %scan3A_7 = arith.addi %scan3A_5, %scan3A_6 : i32
    %scan3A_8 = arith.constant 1 : i32
    scf.for %scan3A_28 = %scan3A_5 to %scan3A_7 step %scan3A_8  : i32 {
      %mul3A_29 = arith.constant 1 : i32
      %mul3A_30 = arith.muli %scan3A_28, %mul3A_29 : i32
      %add3A_31 = arith.constant 0 : i32
      %add3A_32 = arith.addi %add3A_31, %mul3A_30 : i32
      %broadcast_in_dim3A = arith.constant 0.000000e+00 : f32
      %broadcast_in_dim3A_33 = vector.broadcast %broadcast_in_dim3A : f32 to vector<16xf32>
      %mul3A_34 = arith.constant 16 : i32
      %mul3A_35 = arith.muli %add3A_32, %mul3A_34 : i32
      %swap3A = arith.index_cast %mul3A_35 : i32 to index
      %swap3A_36 = tpu.vector_load %arg7[%swap3A] {strides = array<i32>} : memref<640xf32, #tpu.memory_space<vmem>>, vector<16xf32>,
      %swap3A_37 = vector.shape_cast %swap3A_36 : vector<16xf32> to vector<16xf32>
      %swap3A_38 = vector.shape_cast %broadcast_in_dim3A_33 : vector<16xf32> to vector<16xf32>
      tpu.vector_store %arg7[%swap3A], %swap3A_38 {strides = array<i32>} : memref<640xf32, #tpu.memory_space<vmem>>, vector<16xf32>,
    }
    %scan3A_9 = arith.constant 40 : i32
    %mul3A_10 = arith.constant 640 : i32
    %mul3A_11 = arith.muli %arg1, %mul3A_10 : i32
    "tpu.region"() ({
      %run_scoped3A = tpu.sem_alloc : memref<!tpu.dma_semaphore, #tpu.memory_space<semaphore_mem>>
      %dma_start3A = tpu.memref_slice %arg8[%mul3A_11] : memref<10240xf32, #tpu.memory_space<vmem_shared>> -> memref<640xf32, #tpu.memory_space<vmem_shared>>
      %dma_start3A_28 = tpu.memref_slice %arg8[%mul3A_11] : memref<10240xf32, #tpu.memory_space<vmem_shared>> -> memref<640xf32, #tpu.memory_space<vmem_shared>>
      tpu.enqueue_dma source(%arg7 : memref<640xf32, #tpu.memory_space<vmem>>) target(%dma_start3A_28 : memref<640xf32, #tpu.memory_space<vmem_shared>>) target_semaphore(%run_scoped3A : memref<!tpu.dma_semaphore, #tpu.memory_space<semaphore_mem>>)
      %dma_wait3A = tpu.memref_slice %arg8[%mul3A_11] : memref<10240xf32, #tpu.memory_space<vmem_shared>> -> memref<640xf32, #tpu.memory_space<vmem_shared>>
      %dma_wait3A_29 = tpu.memref_slice %arg8[%mul3A_11] : memref<10240xf32, #tpu.memory_space<vmem_shared>> -> memref<640xf32, #tpu.memory_space<vmem_shared>>
      tpu.wait_dma2 semaphore(%run_scoped3A : memref<!tpu.dma_semaphore, #tpu.memory_space<semaphore_mem>>) src(%arg7 : memref<640xf32, #tpu.memory_space<vmem>>) dst(%dma_wait3A_29 : memref<640xf32, #tpu.memory_space<vmem_shared>>)
      tpu.yield
    }) : () -> ()
    %barrier3A = arith.constant 0 : index
    tpu.barrier barrier_id(%barrier3A)
    %scan3A_12 = arith.constant 0 : i32
    %scan3A_13 = arith.constant 39 : i32
    %scan3A_14 = arith.addi %scan3A_12, %scan3A_13 : i32
    %scan3A_15 = arith.constant 1 : i32
    scf.for %scan3A_28 = %scan3A_12 to %scan3A_14 step %scan3A_15  : i32 {
      %mul3A_29 = arith.constant 1 : i32
      %mul3A_30 = arith.muli %scan3A_28, %mul3A_29 : i32
      %add3A_31 = arith.constant 0 : i32
      %add3A_32 = arith.addi %add3A_31, %mul3A_30 : i32
      %mul3A_33 = arith.constant 79 : i32
      %mul3A_34 = arith.muli %add3A, %mul3A_33 : i32
      %mul3A_35 = arith.constant 2 : i32
      %mul3A_36 = arith.muli %mul3A_35, %add3A_32 : i32
      %add3A_37 = arith.addi %mul3A_34, %mul3A_36 : i32
      %mul3A_38 = arith.constant 128 : i32
      %mul3A_39 = arith.muli %add3A_37, %mul3A_38 : i32
      %dma_start3A = tpu.memref_slice %arg2[%mul3A_39] : memref<323584xi32, #tpu.memory_space<hbm>> -> memref<128xi32, #tpu.memory_space<hbm>>
      %dma_start3A_40 = tpu.memref_slice %arg2[%mul3A_39] : memref<323584xi32, #tpu.memory_space<hbm>> -> memref<128xi32, #tpu.memory_space<hbm>>
      tpu.enqueue_dma source(%dma_start3A_40 : memref<128xi32, #tpu.memory_space<hbm>>) target(%arg5 : memref<128xi32, #tpu.memory_space<vmem>>) target_semaphore(%arg9 : memref<!tpu.dma_semaphore, #tpu.memory_space<semaphore_mem>>)
      %add3A_41 = arith.constant 128 : i32
      %add3A_42 = arith.addi %mul3A_39, %add3A_41 : i32
      %dma_start3A_43 = tpu.memref_slice %arg2[%add3A_42] : memref<323584xi32, #tpu.memory_space<hbm>> -> memref<128xi32, #tpu.memory_space<hbm>>
      %dma_start3A_44 = tpu.memref_slice %arg2[%add3A_42] : memref<323584xi32, #tpu.memory_space<hbm>> -> memref<128xi32, #tpu.memory_space<hbm>>
      tpu.enqueue_dma source(%dma_start3A_44 : memref<128xi32, #tpu.memory_space<hbm>>) target(%arg6 : memref<128xi32, #tpu.memory_space<vmem>>) target_semaphore(%arg10 : memref<!tpu.dma_semaphore, #tpu.memory_space<semaphore_mem>>)
      %dma_wait3A = tpu.memref_slice %arg2[%mul3A_39] : memref<323584xi32, #tpu.memory_space<hbm>> -> memref<128xi32, #tpu.memory_space<hbm>>
      %dma_wait3A_45 = tpu.memref_slice %arg2[%mul3A_39] : memref<323584xi32, #tpu.memory_space<hbm>> -> memref<128xi32, #tpu.memory_space<hbm>>
      tpu.wait_dma2 semaphore(%arg9 : memref<!tpu.dma_semaphore, #tpu.memory_space<semaphore_mem>>) src(%dma_wait3A_45 : memref<128xi32, #tpu.memory_space<hbm>>) dst(%arg5 : memref<128xi32, #tpu.memory_space<vmem>>)
      "tpu.region"() ({
        %run_scoped3A = tpu.sem_alloc : memref<!tpu.dma_semaphore, #tpu.memory_space<semaphore_mem>>
        %dma_start3A_48 = arith.constant 0 : i32
        %dma_start3A_49 = tpu.memref_slice %arg8[%dma_start3A_48] : memref<10240xf32, #tpu.memory_space<vmem_shared>> -> memref<10240xf32, #tpu.memory_space<vmem_shared>>
        tpu.enqueue_indirect_dma source(%arg4 : memref<128xf32, #tpu.memory_space<vmem>>) target(%dma_start3A_49 : memref<10240xf32, #tpu.memory_space<vmem_shared>>) offsets(%arg5 : memref<128xi32, #tpu.memory_space<vmem>>) semaphore(%run_scoped3A : memref<!tpu.dma_semaphore, #tpu.memory_space<semaphore_mem>>) {add = true}
        %dma_wait3A_50 = arith.constant 0 : i32
        %dma_wait3A_51 = tpu.memref_slice %arg8[%dma_wait3A_50] : memref<10240xf32, #tpu.memory_space<vmem_shared>> -> memref<10240xf32, #tpu.memory_space<vmem_shared>>
        tpu.wait_indirect_dma semaphore(%run_scoped3A : memref<!tpu.dma_semaphore, #tpu.memory_space<semaphore_mem>>) src(%arg4 : memref<128xf32, #tpu.memory_space<vmem>>) dst(%dma_wait3A_51 : memref<10240xf32, #tpu.memory_space<vmem_shared>>)
        tpu.yield
      }) : () -> ()
      %dma_wait3A_46 = tpu.memref_slice %arg2[%add3A_42] : memref<323584xi32, #tpu.memory_space<hbm>> -> memref<128xi32, #tpu.memory_space<hbm>>
      %dma_wait3A_47 = tpu.memref_slice %arg2[%add3A_42] : memref<323584xi32, #tpu.memory_space<hbm>> -> memref<128xi32, #tpu.memory_space<hbm>>
      tpu.wait_dma2 semaphore(%arg10 : memref<!tpu.dma_semaphore, #tpu.memory_space<semaphore_mem>>) src(%dma_wait3A_47 : memref<128xi32, #tpu.memory_space<hbm>>) dst(%arg6 : memref<128xi32, #tpu.memory_space<vmem>>)
      "tpu.region"() ({
        %run_scoped3A = tpu.sem_alloc : memref<!tpu.dma_semaphore, #tpu.memory_space<semaphore_mem>>
        %dma_start3A_48 = arith.constant 0 : i32
        %dma_start3A_49 = tpu.memref_slice %arg8[%dma_start3A_48] : memref<10240xf32, #tpu.memory_space<vmem_shared>> -> memref<10240xf32, #tpu.memory_space<vmem_shared>>
        tpu.enqueue_indirect_dma source(%arg4 : memref<128xf32, #tpu.memory_space<vmem>>) target(%dma_start3A_49 : memref<10240xf32, #tpu.memory_space<vmem_shared>>) offsets(%arg6 : memref<128xi32, #tpu.memory_space<vmem>>) semaphore(%run_scoped3A : memref<!tpu.dma_semaphore, #tpu.memory_space<semaphore_mem>>) {add = true}
        %dma_wait3A_50 = arith.constant 0 : i32
        %dma_wait3A_51 = tpu.memref_slice %arg8[%dma_wait3A_50] : memref<10240xf32, #tpu.memory_space<vmem_shared>> -> memref<10240xf32, #tpu.memory_space<vmem_shared>>
        tpu.wait_indirect_dma semaphore(%run_scoped3A : memref<!tpu.dma_semaphore, #tpu.memory_space<semaphore_mem>>) src(%arg4 : memref<128xf32, #tpu.memory_space<vmem>>) dst(%dma_wait3A_51 : memref<10240xf32, #tpu.memory_space<vmem_shared>>)
        tpu.yield
      }) : () -> ()
    }
    %scan3A_16 = arith.constant 39 : i32
    %mul3A_17 = arith.constant 79 : i32
    %mul3A_18 = arith.muli %add3A, %mul3A_17 : i32
    %add3A_19 = arith.constant 78 : i32
    %add3A_20 = arith.addi %mul3A_18, %add3A_19 : i32
    %mul3A_21 = arith.constant 128 : i32
    %mul3A_22 = arith.muli %add3A_20, %mul3A_21 : i32
    "tpu.region"() ({
      %run_scoped3A = tpu.sem_alloc : memref<!tpu.dma_semaphore, #tpu.memory_space<semaphore_mem>>
      %dma_start3A = tpu.memref_slice %arg2[%mul3A_22] : memref<323584xi32, #tpu.memory_space<hbm>> -> memref<128xi32, #tpu.memory_space<hbm>>
      %dma_start3A_28 = tpu.memref_slice %arg2[%mul3A_22] : memref<323584xi32, #tpu.memory_space<hbm>> -> memref<128xi32, #tpu.memory_space<hbm>>
      tpu.enqueue_dma source(%dma_start3A_28 : memref<128xi32, #tpu.memory_space<hbm>>) target(%arg5 : memref<128xi32, #tpu.memory_space<vmem>>) target_semaphore(%run_scoped3A : memref<!tpu.dma_semaphore, #tpu.memory_space<semaphore_mem>>)
      %dma_wait3A = tpu.memref_slice %arg2[%mul3A_22] : memref<323584xi32, #tpu.memory_space<hbm>> -> memref<128xi32, #tpu.memory_space<hbm>>
      %dma_wait3A_29 = tpu.memref_slice %arg2[%mul3A_22] : memref<323584xi32, #tpu.memory_space<hbm>> -> memref<128xi32, #tpu.memory_space<hbm>>
      tpu.wait_dma2 semaphore(%run_scoped3A : memref<!tpu.dma_semaphore, #tpu.memory_space<semaphore_mem>>) src(%dma_wait3A_29 : memref<128xi32, #tpu.memory_space<hbm>>) dst(%arg5 : memref<128xi32, #tpu.memory_space<vmem>>)
      tpu.yield
    }) : () -> ()
    "tpu.region"() ({
      %run_scoped3A = tpu.sem_alloc : memref<!tpu.dma_semaphore, #tpu.memory_space<semaphore_mem>>
      %dma_start3A = arith.constant 0 : i32
      %dma_start3A_28 = tpu.memref_slice %arg8[%dma_start3A] : memref<10240xf32, #tpu.memory_space<vmem_shared>> -> memref<10240xf32, #tpu.memory_space<vmem_shared>>
      tpu.enqueue_indirect_dma source(%arg4 : memref<128xf32, #tpu.memory_space<vmem>>) target(%dma_start3A_28 : memref<10240xf32, #tpu.memory_space<vmem_shared>>) offsets(%arg5 : memref<128xi32, #tpu.memory_space<vmem>>) semaphore(%run_scoped3A : memref<!tpu.dma_semaphore, #tpu.memory_space<semaphore_mem>>) {add = true}
      %dma_wait3A = arith.constant 0 : i32
      %dma_wait3A_29 = tpu.memref_slice %arg8[%dma_wait3A] : memref<10240xf32, #tpu.memory_space<vmem_shared>> -> memref<10240xf32, #tpu.memory_space<vmem_shared>>
      tpu.wait_indirect_dma semaphore(%run_scoped3A : memref<!tpu.dma_semaphore, #tpu.memory_space<semaphore_mem>>) src(%arg4 : memref<128xf32, #tpu.memory_space<vmem>>) dst(%dma_wait3A_29 : memref<10240xf32, #tpu.memory_space<vmem_shared>>)
      tpu.yield
    }) : () -> ()
    %barrier3A_23 = arith.constant 0 : index
    tpu.barrier barrier_id(%barrier3A_23)
    %mul3A_24 = arith.constant 640 : i32
    %mul3A_25 = arith.muli %arg1, %mul3A_24 : i32
    %mul3A_26 = arith.constant 640 : i32
    %mul3A_27 = arith.muli %arg1, %mul3A_26 : i32
    "tpu.region"() ({
      %run_scoped3A = tpu.sem_alloc : memref<!tpu.dma_semaphore, #tpu.memory_space<semaphore_mem>>
      %dma_start3A = tpu.memref_slice %arg3[%arg0, %mul3A_27] : memref<2x10240xf32, #tpu.memory_space<hbm>> -> memref<1x640xf32, #tpu.memory_space<hbm>>
      %dma_start3A_28 = tpu.memref_squeeze %dma_start3A : memref<1x640xf32, #tpu.memory_space<hbm>> -> memref<640xf32, #tpu.memory_space<hbm>>
      %dma_start3A_29 = tpu.memref_slice %arg8[%mul3A_25] : memref<10240xf32, #tpu.memory_space<vmem_shared>> -> memref<640xf32, #tpu.memory_space<vmem_shared>>
      tpu.enqueue_dma source(%dma_start3A_29 : memref<640xf32, #tpu.memory_space<vmem_shared>>) target(%dma_start3A_28 : memref<640xf32, #tpu.memory_space<hbm>>) target_semaphore(%run_scoped3A : memref<!tpu.dma_semaphore, #tpu.memory_space<semaphore_mem>>)
      %dma_wait3A = tpu.memref_slice %arg3[%arg0, %mul3A_27] : memref<2x10240xf32, #tpu.memory_space<hbm>> -> memref<1x640xf32, #tpu.memory_space<hbm>>
      %dma_wait3A_30 = tpu.memref_squeeze %dma_wait3A : memref<1x640xf32, #tpu.memory_space<hbm>> -> memref<640xf32, #tpu.memory_space<hbm>>
      %dma_wait3A_31 = tpu.memref_slice %arg8[%mul3A_25] : memref<10240xf32, #tpu.memory_space<vmem_shared>> -> memref<640xf32, #tpu.memory_space<vmem_shared>>
      tpu.wait_dma2 semaphore(%run_scoped3A : memref<!tpu.dma_semaphore, #tpu.memory_space<semaphore_mem>>) src(%dma_wait3A_31 : memref<640xf32, #tpu.memory_space<vmem_shared>>) dst(%dma_wait3A_30 : memref<640xf32, #tpu.memory_space<hbm>>)
      tpu.yield
    }) : () -> ()
    return
  }
}

module attributes {stable_mosaic.version = 14 : i64} {
  func.func @_xw_kernel(%arg0: memref<10240x128xf32, #tpu.memory_space<vmem>>, %arg1: memref<128x128xf32, #tpu.memory_space<vmem>>, %arg2: memref<10240x128xf32, #tpu.memory_space<vmem>>) attributes {dimension_semantics = [], scalar_prefetch = 0 : i64, scratch_operands = 0 : i64, tpu.core_type = #tpu.core_type<tc>} {
    %get3A = arith.constant 0 : index
    %get3A_0 = arith.constant 0 : index
    %get3A_1 = vector.load %arg0[%get3A, %get3A_0] : memref<10240x128xf32, #tpu.memory_space<vmem>>, vector<10240x128xf32>
    %get3A_2 = arith.constant 0 : index
    %get3A_3 = arith.constant 0 : index
    %get3A_4 = vector.load %arg1[%get3A_2, %get3A_3] : memref<128x128xf32, #tpu.memory_space<vmem>>, vector<128x128xf32>
    %dot_general3A = arith.constant dense<0.000000e+00> : vector<10240x128xf32>
    %dot_general3A_5 = tpu.matmul %get3A_1, %get3A_4, %dot_general3A {dimension_numbers = #tpu.dot_dimension_numbers<[1], [0], [0], [1], [0, 0, 1, 1], [], []>, transpose_lhs_hint = false} : vector<10240x128xf32>, vector<128x128xf32>, vector<10240x128xf32> -> vector<10240x128xf32>
    %swap3A = arith.constant 0 : index
    %swap3A_6 = arith.constant 0 : index
    %swap3A_7 = vector.load %arg2[%swap3A, %swap3A_6] : memref<10240x128xf32, #tpu.memory_space<vmem>>, vector<10240x128xf32>
    tpu.vector_store %arg2[%swap3A, %swap3A_6], %dot_general3A_5 {strides = array<i32>} : memref<10240x128xf32, #tpu.memory_space<vmem>>, vector<10240x128xf32>,
    return
  }
}

module attributes {stable_mosaic.version = 14 : i64} {
  func.func @_prep1_kernel(%arg0: memref<10240x128xf32, #tpu.memory_space<vmem>>, %arg1: memref<2x10240x1xf32, #tpu.memory_space<vmem>>, %arg2: memref<10240x128xf32, #tpu.memory_space<vmem>>, %arg3: memref<10240x1xf32, #tpu.memory_space<vmem>>) attributes {dimension_semantics = [], scalar_prefetch = 0 : i64, scratch_operands = 0 : i64, tpu.core_type = #tpu.core_type<tc>} {
    %get3A = arith.constant 0 : index
    %get3A_0 = arith.constant 0 : index
    %get3A_1 = arith.constant 0 : index
    %get3A_2 = vector.load %arg1[%get3A, %get3A_0, %get3A_1] : memref<2x10240x1xf32, #tpu.memory_space<vmem>>, vector<1x10240x1xf32>
    %get3A_3 = vector.shape_cast %get3A_2 : vector<1x10240x1xf32> to vector<10240x1xf32>
    %add3A = arith.constant 1.000000e+00 : f32
    %add3A_4 = vector.broadcast %add3A : f32 to vector<10240x1xf32>
    %add3A_5 = arith.addf %add3A_4, %get3A_3 : vector<10240x1xf32>
    %get3A_6 = arith.constant 1 : index
    %get3A_7 = arith.constant 0 : index
    %get3A_8 = arith.constant 0 : index
    %get3A_9 = vector.load %arg1[%get3A_6, %get3A_7, %get3A_8] : memref<2x10240x1xf32, #tpu.memory_space<vmem>>, vector<1x10240x1xf32>
    %get3A_10 = vector.shape_cast %get3A_9 : vector<1x10240x1xf32> to vector<10240x1xf32>
    %add3A_11 = arith.addf %add3A_5, %get3A_10 : vector<10240x1xf32>
    %sqrt3A = math.sqrt %add3A_11 : vector<10240x1xf32>
    %div3A = arith.constant 1.000000e+00 : f32
    %div3A_12 = vector.broadcast %div3A : f32 to vector<10240x1xf32>
    %div3A_13 = arith.divf %div3A_12, %sqrt3A : vector<10240x1xf32>
    %get3A_14 = arith.constant 0 : index
    %get3A_15 = arith.constant 0 : index
    %get3A_16 = vector.load %arg0[%get3A_14, %get3A_15] : memref<10240x128xf32, #tpu.memory_space<vmem>>, vector<10240x128xf32>
    %mul3A = vector.broadcast %div3A_13 : vector<10240x1xf32> to vector<10240x128xf32>
    %mul3A_17 = arith.mulf %get3A_16, %mul3A : vector<10240x128xf32>
    %swap3A = arith.constant 0 : index
    %swap3A_18 = arith.constant 0 : index
    %swap3A_19 = vector.load %arg2[%swap3A, %swap3A_18] : memref<10240x128xf32, #tpu.memory_space<vmem>>, vector<10240x128xf32>
    tpu.vector_store %arg2[%swap3A, %swap3A_18], %mul3A_17 {strides = array<i32>} : memref<10240x128xf32, #tpu.memory_space<vmem>>, vector<10240x128xf32>,
    %swap3A_20 = arith.constant 0 : index
    %swap3A_21 = arith.constant 0 : index
    %swap3A_22 = vector.load %arg3[%swap3A_20, %swap3A_21] : memref<10240x1xf32, #tpu.memory_space<vmem>>, vector<10240x1xf32>
    tpu.vector_store %arg3[%swap3A_20, %swap3A_21], %div3A_13 {strides = array<i32>} : memref<10240x1xf32, #tpu.memory_space<vmem>>, vector<10240x1xf32>,
    return
  }
}

module attributes {stable_mosaic.version = 14 : i64} {
  func.func @_post1_kernel(%arg0: memref<2x10240x128xf32, #tpu.memory_space<vmem>>, %arg1: memref<10240x128xf32, #tpu.memory_space<vmem>>, %arg2: memref<10240x1xf32, #tpu.memory_space<vmem>>, %arg3: memref<1x128xf32, #tpu.memory_space<vmem>>, %arg4: memref<1x128xf32, #tpu.memory_space<vmem>>, %arg5: memref<1x128xf32, #tpu.memory_space<vmem>>, %arg6: memref<1x1xf32, #tpu.memory_space<vmem>>, %arg7: memref<128x128xf32, #tpu.memory_space<vmem>>, %arg8: memref<10240x128xf32, #tpu.memory_space<vmem>>) attributes {dimension_semantics = [], scalar_prefetch = 0 : i64, scratch_operands = 0 : i64, tpu.core_type = #tpu.core_type<tc>} {
    %get3A = arith.constant 0 : index
    %get3A_0 = arith.constant 0 : index
    %get3A_1 = vector.load %arg2[%get3A, %get3A_0] : memref<10240x1xf32, #tpu.memory_space<vmem>>, vector<10240x1xf32>
    %get3A_2 = arith.constant 0 : index
    %get3A_3 = arith.constant 0 : index
    %get3A_4 = arith.constant 0 : index
    %get3A_5 = vector.load %arg0[%get3A_2, %get3A_3, %get3A_4] : memref<2x10240x128xf32, #tpu.memory_space<vmem>>, vector<1x10240x128xf32>
    %get3A_6 = vector.shape_cast %get3A_5 : vector<1x10240x128xf32> to vector<10240x128xf32>
    %get3A_7 = arith.constant 1 : index
    %get3A_8 = arith.constant 0 : index
    %get3A_9 = arith.constant 0 : index
    %get3A_10 = vector.load %arg0[%get3A_7, %get3A_8, %get3A_9] : memref<2x10240x128xf32, #tpu.memory_space<vmem>>, vector<1x10240x128xf32>
    %get3A_11 = vector.shape_cast %get3A_10 : vector<1x10240x128xf32> to vector<10240x128xf32>
    %add3A = arith.addf %get3A_6, %get3A_11 : vector<10240x128xf32>
    %get3A_12 = arith.constant 0 : index
    %get3A_13 = arith.constant 0 : index
    %get3A_14 = vector.load %arg1[%get3A_12, %get3A_13] : memref<10240x128xf32, #tpu.memory_space<vmem>>, vector<10240x128xf32>
    %add3A_15 = arith.addf %add3A, %get3A_14 : vector<10240x128xf32>
    %mul3A = vector.broadcast %get3A_1 : vector<10240x1xf32> to vector<10240x128xf32>
    %mul3A_16 = arith.mulf %mul3A, %add3A_15 : vector<10240x128xf32>
    %get3A_17 = arith.constant 0 : index
    %get3A_18 = arith.constant 0 : index
    %get3A_19 = vector.load %arg3[%get3A_17, %get3A_18] : memref<1x128xf32, #tpu.memory_space<vmem>>, vector<1x128xf32>
    %add3A_20 = vector.broadcast %get3A_19 : vector<1x128xf32> to vector<10240x128xf32>
    %add3A_21 = arith.addf %mul3A_16, %add3A_20 : vector<10240x128xf32>
    %iota3A = tpu.iota {dimensions = array<i32: 0>} : vector<10240x1xi32>
    %lt3A = arith.constant 10000 : i32
    %lt3A_22 = vector.broadcast %lt3A : i32 to vector<10240x1xi32>
    %lt3A_23 = arith.cmpi slt, %iota3A, %lt3A_22 : vector<10240x1xi32>
    %convert_element_type3A = arith.extui %lt3A_23 : vector<10240x1xi1> to vector<10240x1xi32>
    %convert_element_type3A_24 = arith.sitofp %convert_element_type3A : vector<10240x1xi32> to vector<10240x1xf32>
    %mul3A_25 = vector.broadcast %convert_element_type3A_24 : vector<10240x1xf32> to vector<10240x128xf32>
    %mul3A_26 = arith.mulf %add3A_21, %mul3A_25 : vector<10240x128xf32>
    %reduce_sum3A = arith.constant dense<0.000000e+00> : vector<128xf32>
    %reduce_sum3A_27 = vector.multi_reduction <add>, %mul3A_26, %reduce_sum3A [0] : vector<10240x128xf32> to vector<128xf32>
    %broadcast_in_dim3A = vector.shape_cast %reduce_sum3A_27 : vector<128xf32> to vector<1x128xf32>
    %div3A = arith.constant 1.000000e+04 : f32
    %div3A_28 = vector.broadcast %div3A : f32 to vector<1x128xf32>
    %div3A_29 = arith.divf %broadcast_in_dim3A, %div3A_28 : vector<1x128xf32>
    %sub3A = vector.broadcast %div3A_29 : vector<1x128xf32> to vector<10240x128xf32>
    %sub3A_30 = arith.subf %add3A_21, %sub3A : vector<10240x128xf32>
    %mul3A_31 = vector.broadcast %convert_element_type3A_24 : vector<10240x1xf32> to vector<10240x128xf32>
    %mul3A_32 = arith.mulf %sub3A_30, %mul3A_31 : vector<10240x128xf32>
    %mul3A_33 = arith.mulf %mul3A_32, %mul3A_32 : vector<10240x128xf32>
    %reduce_sum3A_34 = arith.constant dense<0.000000e+00> : vector<128xf32>
    %reduce_sum3A_35 = vector.multi_reduction <add>, %mul3A_33, %reduce_sum3A_34 [0] : vector<10240x128xf32> to vector<128xf32>
    %broadcast_in_dim3A_36 = vector.shape_cast %reduce_sum3A_35 : vector<128xf32> to vector<1x128xf32>
    %div3A_37 = arith.constant 1.000000e+04 : f32
    %div3A_38 = vector.broadcast %div3A_37 : f32 to vector<1x128xf32>
    %div3A_39 = arith.divf %broadcast_in_dim3A_36, %div3A_38 : vector<1x128xf32>
    %sub3A_40 = vector.broadcast %div3A_29 : vector<1x128xf32> to vector<10240x128xf32>
    %sub3A_41 = arith.subf %add3A_21, %sub3A_40 : vector<10240x128xf32>
    %add3A_42 = arith.constant 9.99999974E-6 : f32
    %add3A_43 = vector.broadcast %add3A_42 : f32 to vector<1x128xf32>
    %add3A_44 = arith.addf %div3A_39, %add3A_43 : vector<1x128xf32>
    %sqrt3A = math.sqrt %add3A_44 : vector<1x128xf32>
    %div3A_45 = vector.broadcast %sqrt3A : vector<1x128xf32> to vector<10240x128xf32>
    %div3A_46 = arith.divf %sub3A_41, %div3A_45 : vector<10240x128xf32>
    %get3A_47 = arith.constant 0 : index
    %get3A_48 = arith.constant 0 : index
    %get3A_49 = vector.load %arg4[%get3A_47, %get3A_48] : memref<1x128xf32, #tpu.memory_space<vmem>>, vector<1x128xf32>
    %mul3A_50 = vector.broadcast %get3A_49 : vector<1x128xf32> to vector<10240x128xf32>
    %mul3A_51 = arith.mulf %div3A_46, %mul3A_50 : vector<10240x128xf32>
    %get3A_52 = arith.constant 0 : index
    %get3A_53 = arith.constant 0 : index
    %get3A_54 = vector.load %arg5[%get3A_52, %get3A_53] : memref<1x128xf32, #tpu.memory_space<vmem>>, vector<1x128xf32>
    %add3A_55 = vector.broadcast %get3A_54 : vector<1x128xf32> to vector<10240x128xf32>
    %add3A_56 = arith.addf %mul3A_51, %add3A_55 : vector<10240x128xf32>
    %get3A_57 = arith.constant 0 : index
    %get3A_58 = arith.constant 0 : index
    %get3A_59 = vector.load %arg6[%get3A_57, %get3A_58] : memref<1x1xf32, #tpu.memory_space<vmem>>, vector<1x1xf32>
    %get3A_60 = vector.extract %get3A_59[0, 0] : f32 from vector<1x1xf32>
    %ge3A = arith.constant 0.000000e+00 : f32
    %ge3A_61 = vector.broadcast %ge3A : f32 to vector<10240x128xf32>
    %ge3A_62 = arith.cmpf oge, %add3A_56, %ge3A_61 : vector<10240x128xf32>
    %mul3A_63 = vector.broadcast %get3A_60 : f32 to vector<10240x128xf32>
    %mul3A_64 = arith.mulf %mul3A_63, %add3A_56 : vector<10240x128xf32>
    %select_n3A = arith.select %ge3A_62, %add3A_56, %mul3A_64 : vector<10240x128xi1>, vector<10240x128xf32>
    %mul3A_65 = vector.broadcast %convert_element_type3A_24 : vector<10240x1xf32> to vector<10240x128xf32>
    %mul3A_66 = arith.mulf %select_n3A, %mul3A_65 : vector<10240x128xf32>
    %get3A_67 = arith.constant 0 : index
    %get3A_68 = arith.constant 0 : index
    %get3A_69 = vector.load %arg7[%get3A_67, %get3A_68] : memref<128x128xf32, #tpu.memory_space<vmem>>, vector<128x128xf32>
    %dot_general3A = arith.constant dense<0.000000e+00> : vector<10240x128xf32>
    %dot_general3A_70 = tpu.matmul %mul3A_66, %get3A_69, %dot_general3A {dimension_numbers = #tpu.dot_dimension_numbers<[1], [0], [0], [1], [0, 0, 1, 1], [], []>, transpose_lhs_hint = false} : vector<10240x128xf32>, vector<128x128xf32>, vector<10240x128xf32> -> vector<10240x128xf32>
    %mul3A_71 = vector.broadcast %get3A_1 : vector<10240x1xf32> to vector<10240x128xf32>
    %mul3A_72 = arith.mulf %dot_general3A_70, %mul3A_71 : vector<10240x128xf32>
    %swap3A = arith.constant 0 : index
    %swap3A_73 = arith.constant 0 : index
    %swap3A_74 = vector.load %arg8[%swap3A, %swap3A_73] : memref<10240x128xf32, #tpu.memory_space<vmem>>, vector<10240x128xf32>
    tpu.vector_store %arg8[%swap3A, %swap3A_73], %mul3A_72 {strides = array<i32>} : memref<10240x128xf32, #tpu.memory_space<vmem>>, vector<10240x128xf32>,
    return
  }
}

module attributes {stable_mosaic.version = 14 : i64} {
  func.func @_final_kernel(%arg0: memref<2x10240x128xf32, #tpu.memory_space<vmem>>, %arg1: memref<10240x128xf32, #tpu.memory_space<vmem>>, %arg2: memref<10240x1xf32, #tpu.memory_space<vmem>>, %arg3: memref<1x128xf32, #tpu.memory_space<vmem>>, %arg4: memref<10240x1xi32, #tpu.memory_space<vmem>>, %arg5: memref<128x128xf32, #tpu.memory_space<vmem>>, %arg6: memref<1x128xf32, #tpu.memory_space<vmem>>, %arg7: memref<1x128xf32, #tpu.memory_space<vmem>>, %arg8: memref<1x1xf32, #tpu.memory_space<vmem>>, %arg9: memref<128x128xf32, #tpu.memory_space<vmem>>, %arg10: memref<1x128xf32, #tpu.memory_space<vmem>>, %arg11: memref<1x128xf32, #tpu.memory_space<vmem>>, %arg12: memref<128x2xf32, #tpu.memory_space<vmem>>, %arg13: memref<64x2xf32, #tpu.memory_space<vmem>>) attributes {dimension_semantics = [], scalar_prefetch = 0 : i64, scratch_operands = 0 : i64, tpu.core_type = #tpu.core_type<tc>} {
    %get3A = arith.constant 0 : index
    %get3A_0 = arith.constant 0 : index
    %get3A_1 = vector.load %arg2[%get3A, %get3A_0] : memref<10240x1xf32, #tpu.memory_space<vmem>>, vector<10240x1xf32>
    %get3A_2 = arith.constant 0 : index
    %get3A_3 = arith.constant 0 : index
    %get3A_4 = arith.constant 0 : index
    %get3A_5 = vector.load %arg0[%get3A_2, %get3A_3, %get3A_4] : memref<2x10240x128xf32, #tpu.memory_space<vmem>>, vector<1x10240x128xf32>
    %get3A_6 = vector.shape_cast %get3A_5 : vector<1x10240x128xf32> to vector<10240x128xf32>
    %get3A_7 = arith.constant 1 : index
    %get3A_8 = arith.constant 0 : index
    %get3A_9 = arith.constant 0 : index
    %get3A_10 = vector.load %arg0[%get3A_7, %get3A_8, %get3A_9] : memref<2x10240x128xf32, #tpu.memory_space<vmem>>, vector<1x10240x128xf32>
    %get3A_11 = vector.shape_cast %get3A_10 : vector<1x10240x128xf32> to vector<10240x128xf32>
    %add3A = arith.addf %get3A_6, %get3A_11 : vector<10240x128xf32>
    %get3A_12 = arith.constant 0 : index
    %get3A_13 = arith.constant 0 : index
    %get3A_14 = vector.load %arg1[%get3A_12, %get3A_13] : memref<10240x128xf32, #tpu.memory_space<vmem>>, vector<10240x128xf32>
    %add3A_15 = arith.addf %add3A, %get3A_14 : vector<10240x128xf32>
    %mul3A = vector.broadcast %get3A_1 : vector<10240x1xf32> to vector<10240x128xf32>
    %mul3A_16 = arith.mulf %mul3A, %add3A_15 : vector<10240x128xf32>
    %get3A_17 = arith.constant 0 : index
    %get3A_18 = arith.constant 0 : index
    %get3A_19 = vector.load %arg3[%get3A_17, %get3A_18] : memref<1x128xf32, #tpu.memory_space<vmem>>, vector<1x128xf32>
    %add3A_20 = vector.broadcast %get3A_19 : vector<1x128xf32> to vector<10240x128xf32>
    %add3A_21 = arith.addf %mul3A_16, %add3A_20 : vector<10240x128xf32>
    %iota3A = tpu.iota {dimensions = array<i32: 1>} : vector<1x64xi32>
    %get3A_22 = arith.constant 0 : index
    %get3A_23 = arith.constant 0 : index
    %get3A_24 = vector.load %arg4[%get3A_22, %get3A_23] : memref<10240x1xi32, #tpu.memory_space<vmem>>, vector<10240x1xi32>
    %eq3A = vector.broadcast %get3A_24 : vector<10240x1xi32> to vector<10240x64xi32>
    %eq3A_25 = vector.broadcast %iota3A : vector<1x64xi32> to vector<10240x64xi32>
    %eq3A_26 = arith.cmpi eq, %eq3A, %eq3A_25 : vector<10240x64xi32>
    %convert_element_type3A = arith.extui %eq3A_26 : vector<10240x64xi1> to vector<10240x64xi32>
    %convert_element_type3A_27 = arith.sitofp %convert_element_type3A : vector<10240x64xi32> to vector<10240x64xf32>
    %dot_general3A = arith.constant dense<0.000000e+00> : vector<64x128xf32>
    %dot_general3A_28 = tpu.matmul %convert_element_type3A_27, %add3A_21, %dot_general3A {dimension_numbers = #tpu.dot_dimension_numbers<[0], [0], [1], [1], [0, 1, 1, 1], [], []>, precision = #tpu.contract_precision<fp32>, transpose_lhs_hint = false} : vector<10240x64xf32>, vector<10240x128xf32>, vector<64x128xf32> -> vector<64x128xf32>
    %reduce_sum3A = arith.constant dense<0.000000e+00> : vector<64xf32>
    %reduce_sum3A_29 = vector.multi_reduction <add>, %convert_element_type3A_27, %reduce_sum3A [0] : vector<10240x64xf32> to vector<64xf32>
    %broadcast_in_dim3A = vector.shape_cast %reduce_sum3A_29 : vector<64xf32> to vector<64x1xf32>
    %max3A = arith.constant 1.000000e+00 : f32
    %max3A_30 = vector.broadcast %max3A : f32 to vector<64x1xf32>
    %max3A_31 = arith.maximumf %broadcast_in_dim3A, %max3A_30 : vector<64x1xf32>
    %div3A = vector.broadcast %max3A_31 : vector<64x1xf32> to vector<64x128xf32>
    %div3A_32 = arith.divf %dot_general3A_28, %div3A : vector<64x128xf32>
    %get3A_33 = arith.constant 0 : index
    %get3A_34 = arith.constant 0 : index
    %get3A_35 = vector.load %arg8[%get3A_33, %get3A_34] : memref<1x1xf32, #tpu.memory_space<vmem>>, vector<1x1xf32>
    %get3A_36 = vector.extract %get3A_35[0, 0] : f32 from vector<1x1xf32>
    %get3A_37 = arith.constant 0 : index
    %get3A_38 = arith.constant 0 : index
    %get3A_39 = vector.load %arg5[%get3A_37, %get3A_38] : memref<128x128xf32, #tpu.memory_space<vmem>>, vector<128x128xf32>
    %dot_general3A_40 = arith.constant dense<0.000000e+00> : vector<64x128xf32>
    %dot_general3A_41 = tpu.matmul %div3A_32, %get3A_39, %dot_general3A_40 {dimension_numbers = #tpu.dot_dimension_numbers<[1], [0], [0], [1], [0, 0, 1, 1], [], []>, transpose_lhs_hint = false} : vector<64x128xf32>, vector<128x128xf32>, vector<64x128xf32> -> vector<64x128xf32>
    %get3A_42 = arith.constant 0 : index
    %get3A_43 = arith.constant 0 : index
    %get3A_44 = vector.load %arg6[%get3A_42, %get3A_43] : memref<1x128xf32, #tpu.memory_space<vmem>>, vector<1x128xf32>
    %get3A_45 = arith.constant 0 : index
    %get3A_46 = arith.constant 0 : index
    %get3A_47 = vector.load %arg7[%get3A_45, %get3A_46] : memref<1x128xf32, #tpu.memory_space<vmem>>, vector<1x128xf32>
    %reduce_sum3A_48 = arith.constant dense<0.000000e+00> : vector<128xf32>
    %reduce_sum3A_49 = vector.multi_reduction <add>, %dot_general3A_41, %reduce_sum3A_48 [0] : vector<64x128xf32> to vector<128xf32>
    %broadcast_in_dim3A_50 = vector.shape_cast %reduce_sum3A_49 : vector<128xf32> to vector<1x128xf32>
    %div3A_51 = arith.constant 6.400000e+01 : f32
    %div3A_52 = vector.broadcast %div3A_51 : f32 to vector<1x128xf32>
    %div3A_53 = arith.divf %broadcast_in_dim3A_50, %div3A_52 : vector<1x128xf32>
    %sub3A = vector.broadcast %div3A_53 : vector<1x128xf32> to vector<64x128xf32>
    %sub3A_54 = arith.subf %dot_general3A_41, %sub3A : vector<64x128xf32>
    %sub3A_55 = vector.broadcast %div3A_53 : vector<1x128xf32> to vector<64x128xf32>
    %sub3A_56 = arith.subf %dot_general3A_41, %sub3A_55 : vector<64x128xf32>
    %mul3A_57 = arith.mulf %sub3A_54, %sub3A_56 : vector<64x128xf32>
    %reduce_sum3A_58 = arith.constant dense<0.000000e+00> : vector<128xf32>
    %reduce_sum3A_59 = vector.multi_reduction <add>, %mul3A_57, %reduce_sum3A_58 [0] : vector<64x128xf32> to vector<128xf32>
    %broadcast_in_dim3A_60 = vector.shape_cast %reduce_sum3A_59 : vector<128xf32> to vector<1x128xf32>
    %div3A_61 = arith.constant 6.400000e+01 : f32
    %div3A_62 = vector.broadcast %div3A_61 : f32 to vector<1x128xf32>
    %div3A_63 = arith.divf %broadcast_in_dim3A_60, %div3A_62 : vector<1x128xf32>
    %sub3A_64 = vector.broadcast %div3A_53 : vector<1x128xf32> to vector<64x128xf32>
    %sub3A_65 = arith.subf %dot_general3A_41, %sub3A_64 : vector<64x128xf32>
    %add3A_66 = arith.constant 9.99999974E-6 : f32
    %add3A_67 = vector.broadcast %add3A_66 : f32 to vector<1x128xf32>
    %add3A_68 = arith.addf %div3A_63, %add3A_67 : vector<1x128xf32>
    %sqrt3A = math.sqrt %add3A_68 : vector<1x128xf32>
    %div3A_69 = vector.broadcast %sqrt3A : vector<1x128xf32> to vector<64x128xf32>
    %div3A_70 = arith.divf %sub3A_65, %div3A_69 : vector<64x128xf32>
    %mul3A_71 = vector.broadcast %get3A_44 : vector<1x128xf32> to vector<64x128xf32>
    %mul3A_72 = arith.mulf %div3A_70, %mul3A_71 : vector<64x128xf32>
    %add3A_73 = vector.broadcast %get3A_47 : vector<1x128xf32> to vector<64x128xf32>
    %add3A_74 = arith.addf %mul3A_72, %add3A_73 : vector<64x128xf32>
    %ge3A = arith.constant 0.000000e+00 : f32
    %ge3A_75 = vector.broadcast %ge3A : f32 to vector<64x128xf32>
    %ge3A_76 = arith.cmpf oge, %add3A_74, %ge3A_75 : vector<64x128xf32>
    %mul3A_77 = vector.broadcast %get3A_36 : f32 to vector<64x128xf32>
    %mul3A_78 = arith.mulf %mul3A_77, %add3A_74 : vector<64x128xf32>
    %select_n3A = arith.select %ge3A_76, %add3A_74, %mul3A_78 : vector<64x128xi1>, vector<64x128xf32>
    %get3A_79 = arith.constant 0 : index
    %get3A_80 = arith.constant 0 : index
    %get3A_81 = vector.load %arg9[%get3A_79, %get3A_80] : memref<128x128xf32, #tpu.memory_space<vmem>>, vector<128x128xf32>
    %dot_general3A_82 = arith.constant dense<0.000000e+00> : vector<64x128xf32>
    %dot_general3A_83 = tpu.matmul %select_n3A, %get3A_81, %dot_general3A_82 {dimension_numbers = #tpu.dot_dimension_numbers<[1], [0], [0], [1], [0, 0, 1, 1], [], []>, transpose_lhs_hint = false} : vector<64x128xf32>, vector<128x128xf32>, vector<64x128xf32> -> vector<64x128xf32>
    %get3A_84 = arith.constant 0 : index
    %get3A_85 = arith.constant 0 : index
    %get3A_86 = vector.load %arg10[%get3A_84, %get3A_85] : memref<1x128xf32, #tpu.memory_space<vmem>>, vector<1x128xf32>
    %get3A_87 = arith.constant 0 : index
    %get3A_88 = arith.constant 0 : index
    %get3A_89 = vector.load %arg11[%get3A_87, %get3A_88] : memref<1x128xf32, #tpu.memory_space<vmem>>, vector<1x128xf32>
    %reduce_sum3A_90 = arith.constant dense<0.000000e+00> : vector<128xf32>
    %reduce_sum3A_91 = vector.multi_reduction <add>, %dot_general3A_83, %reduce_sum3A_90 [0] : vector<64x128xf32> to vector<128xf32>
    %broadcast_in_dim3A_92 = vector.shape_cast %reduce_sum3A_91 : vector<128xf32> to vector<1x128xf32>
    %div3A_93 = arith.constant 6.400000e+01 : f32
    %div3A_94 = vector.broadcast %div3A_93 : f32 to vector<1x128xf32>
    %div3A_95 = arith.divf %broadcast_in_dim3A_92, %div3A_94 : vector<1x128xf32>
    %sub3A_96 = vector.broadcast %div3A_95 : vector<1x128xf32> to vector<64x128xf32>
    %sub3A_97 = arith.subf %dot_general3A_83, %sub3A_96 : vector<64x128xf32>
    %sub3A_98 = vector.broadcast %div3A_95 : vector<1x128xf32> to vector<64x128xf32>
    %sub3A_99 = arith.subf %dot_general3A_83, %sub3A_98 : vector<64x128xf32>
    %mul3A_100 = arith.mulf %sub3A_97, %sub3A_99 : vector<64x128xf32>
    %reduce_sum3A_101 = arith.constant dense<0.000000e+00> : vector<128xf32>
    %reduce_sum3A_102 = vector.multi_reduction <add>, %mul3A_100, %reduce_sum3A_101 [0] : vector<64x128xf32> to vector<128xf32>
    %broadcast_in_dim3A_103 = vector.shape_cast %reduce_sum3A_102 : vector<128xf32> to vector<1x128xf32>
    %div3A_104 = arith.constant 6.400000e+01 : f32
    %div3A_105 = vector.broadcast %div3A_104 : f32 to vector<1x128xf32>
    %div3A_106 = arith.divf %broadcast_in_dim3A_103, %div3A_105 : vector<1x128xf32>
    %sub3A_107 = vector.broadcast %div3A_95 : vector<1x128xf32> to vector<64x128xf32>
    %sub3A_108 = arith.subf %dot_general3A_83, %sub3A_107 : vector<64x128xf32>
    %add3A_109 = arith.constant 9.99999974E-6 : f32
    %add3A_110 = vector.broadcast %add3A_109 : f32 to vector<1x128xf32>
    %add3A_111 = arith.addf %div3A_106, %add3A_110 : vector<1x128xf32>
    %sqrt3A_112 = math.sqrt %add3A_111 : vector<1x128xf32>
    %div3A_113 = vector.broadcast %sqrt3A_112 : vector<1x128xf32> to vector<64x128xf32>
    %div3A_114 = arith.divf %sub3A_108, %div3A_113 : vector<64x128xf32>
    %mul3A_115 = vector.broadcast %get3A_86 : vector<1x128xf32> to vector<64x128xf32>
    %mul3A_116 = arith.mulf %div3A_114, %mul3A_115 : vector<64x128xf32>
    %add3A_117 = vector.broadcast %get3A_89 : vector<1x128xf32> to vector<64x128xf32>
    %add3A_118 = arith.addf %mul3A_116, %add3A_117 : vector<64x128xf32>
    %ge3A_119 = arith.constant 0.000000e+00 : f32
    %ge3A_120 = vector.broadcast %ge3A_119 : f32 to vector<64x128xf32>
    %ge3A_121 = arith.cmpf oge, %add3A_118, %ge3A_120 : vector<64x128xf32>
    %mul3A_122 = vector.broadcast %get3A_36 : f32 to vector<64x128xf32>
    %mul3A_123 = arith.mulf %mul3A_122, %add3A_118 : vector<64x128xf32>
    %select_n3A_124 = arith.select %ge3A_121, %add3A_118, %mul3A_123 : vector<64x128xi1>, vector<64x128xf32>
    %get3A_125 = arith.constant 0 : index
    %get3A_126 = arith.constant 0 : index
    %get3A_127 = vector.load %arg12[%get3A_125, %get3A_126] : memref<128x2xf32, #tpu.memory_space<vmem>>, vector<128x2xf32>
    %dot_general3A_128 = arith.constant dense<0.000000e+00> : vector<64x2xf32>
    %dot_general3A_129 = tpu.matmul %select_n3A_124, %get3A_127, %dot_general3A_128 {dimension_numbers = #tpu.dot_dimension_numbers<[1], [0], [0], [1], [0, 0, 1, 1], [], []>, transpose_lhs_hint = false} : vector<64x128xf32>, vector<128x2xf32>, vector<64x2xf32> -> vector<64x2xf32>
    %swap3A = arith.constant 0 : index
    %swap3A_130 = arith.constant 0 : index
    %swap3A_131 = vector.load %arg13[%swap3A, %swap3A_130] : memref<64x2xf32, #tpu.memory_space<vmem>>, vector<64x2xf32>
    tpu.vector_store %arg13[%swap3A, %swap3A_130], %dot_general3A_129 {strides = array<i32>} : memref<64x2xf32, #tpu.memory_space<vmem>>, vector<64x2xf32>,
    return
  }
}

</mosaic_0001>

<sc_bundles>
// kernel: kernel.12.cloned.1.call-start
scs
__scs_entry_jumppad:
0x0: {  	(pc) =	sbr.rel $0x88, $3  }
0x1: {  	(tag) =	ssettag $0x0;
	lr =	simm.s32 $0x1  }
0x2: {  	[smem:$0x3F8F] =	sst lr;
	_ =	strace $0xD0000000  }
0x3: {  	_ = 	snop  }
0x4: {  	_ = 	snop  }
0x5: {  	_ = 	snop  }
0x6: {  	_ = 	snop  }
0x7: {  	_ = 	snop  }
__scs_overlays_trampoline_lowered:
0x8: {  	[smem:$0x3F9E] =	sst s0  }
0x9: {  	[smem:$0x3F9F] =	sst s1  }
0xa: {  	[smem:$0x3FA0] =	sst s2  }
0xb: {  	[smem:$0x3FA1] =	sst s3  }
0xc: {  	[smem:$0x3FA2] =	sst s4  }
0xd: {  	[smem:$0x3FA3] =	sst s5  }
0xe: {  	[smem:$0x3FA4] =	sst s6  }
0xf: {  	[smem:$0x3FA5] =	sst s7  }
0x10: {  	[smem:$0x3FA6] =	sst s8  }
0x11: {  	[smem:$0x3FA7] =	sst s9;
	s0 =	simm.s32 @!p0 $0x0  }
0x12: {  	s1 =	sld [smem:$0x3F8D];
	s0 =	simm.s32 @p0 $0x1  }
0x13: {  	[smem:$0x3FA8] =	sst s0;
	s0 =	simm.s32 @!p1 $0x0  }
0x14: {  	s2 =	sld [smem:$0x3F8C];
	s0 =	simm.s32 @p1 $0x1  }
0x15: {  	[smem:$0x3FA9] =	sst s0;
	s0 =	simm.s32 @!p2 $0x0  }
0x16: {  	s3 =	sld [smem:$0x3FDB];
	s0 =	simm.s32 @p2 $0x1  }
0x17: {  	s4 =	simm.s32 $0x1BF5;
	[smem:$0x3FAB] =	sst s0  }
0x18: {  	s0 =	sld [smem:$0x3F8E];
	_ =	swait.ge [sflag:s4], $0x0  }
0x19: {  	s7 =	sld [smem:$0x3F8F]  }
0x1a: {  	s8 =	sadd.s32 $0xFFFFE003, lr  }
0x1b: {  	s9 =	sadd.s32 $0xFFFFFEF7, lr;
	s5 =	simm.s32 $0xFFFFFFFF;
	p2 =	slt.u32 s8, $0xFFFFF086  }
0x1c: {  	p1 =	slt.u32 s9, $0xF7A;
	s5 =	simm.s32 @!p2 $0x0  }
0x1d: {  	s5 =	simm.s32 @p1 $0x1;
	p0 =	seq.s32 s7, s2  }
0x1e: {  	s7 =	smul.u32 @!p0 $0xF7A, s2;
	p2 =	seq.s32 @!p0 s5, $0x0  }
0x1f: {  	s9 =	smul.u32 $0xF7A, s1;
	s8 =	simm.s32 @!p0 $0x1BF5;
	p2 =	por !p2, p0  }
0x20: {  	[sflag:s8] =	ssyncset.s32 @!p0 $0xFFFFF086;
	s6 =	sadd.s32 @!p0 s3, s7;
	s7 =	simm.s32 @!p0 $0x108  }
0x21: {  	s3 =	sadd.s32 s3, s9;
	s6 =	sadd.s32 @!p0 $0x88, s6;
	s7 =	simm.s32 @p2 $0x1082  }
0x22: {  	[simem:s7], [sflag:s8] =	dma.local @!p0 [hbm:s6], $0xF7A  }
0x23: {  	s9 =	sor.u32 $0xD0000000, s2;
	s6 =	simm.s32 $0x108;
	_ =	swait.ge @!p0 [sflag:s8], $0x0  }
0x24: {  	s3 =	sadd.s32 $0x88, s3;
	s6 =	simm.s32 @!p1 $0x1082;
	[sflag:s4] =	ssyncset.s32 $0xFFFFF086  }
0x25: {  	[simem:s6], [sflag:s4] =	dma.local [hbm:s3], $0xF7A  }
0x26: {  	[smem:$0x3F8F] =	sst s1;
	(tag) =	ssettag s2;
	_ =	strace s9  }
0x27: {  	s1 =	sld [smem:$0x3F9F]  }
0x28: {  	s2 =	sld [smem:$0x3FA0]  }
0x29: {  	s4 =	sld [smem:$0x3FA2]  }
0x2a: {  	p0 =	seq.s32 s5, $0x0;
	s5 =	sld [smem:$0x3FA3]  }
0x2b: {  	s6 =	sld [smem:$0x3FA4]  }
0x2c: {  	s7 =	sld [smem:$0x3FA5]  }
0x2d: {  	s3 =	simm.s32 $0x108;
	s8 =	sld [smem:$0x3FA6]  }
0x2e: {  	s3 =	simm.s32 @!p0 $0x1082;
	s9 =	sld [smem:$0x3FA7]  }
0x2f: {  	lr =	sadd.s32 s0, s3;
	s0 =	sld [smem:$0x3F9E]  }
0x30: {  	s3 =	sld [smem:$0x3FA1]  }
0x31: {  	[smem:$0x3FAA] =	sst s10  }
0x32: {  	s10 =	sld [smem:$0x3FA8];
	_ =	sdelay $0x3  }
0x33: {  	p0 =	seq.s32 s10, $0x1;
	s10 =	sld [smem:$0x3FAA];
	_ =	sdelay $0x3  }
0x34: {  	[smem:$0x3FAA] =	sst s10  }
0x35: {  	s10 =	sld [smem:$0x3FA9];
	_ =	sdelay $0x3  }
0x36: {  	p1 =	seq.s32 s10, $0x1;
	s10 =	sld [smem:$0x3FAA];
	_ =	sdelay $0x3  }
0x37: {  	[smem:$0x3FAA] =	sst s10  }
0x38: {  	s10 =	sld [smem:$0x3FAB]  }
0x39: {  	_ = 	snop;
	(pc) =	sbr.ind lr, $3  }
0x3a: {  	_ = 	snop  }
0x3b: {  	_ = 	snop  }
0x3c: {  	p2 =	seq.s32 s10, $0x1;
	s10 =	sld [smem:$0x3FAA]  }
0x3d: {  	_ =	shalt  }
0x3e: {  	_ =	shalt  }
0x3f: {  	_ =	shalt  }
0x40: {  	_ =	shalt  }
0x41: {  	_ =	shalt  }
0x42: {  	_ =	shalt  }
0x43: {  	_ =	shalt  }
0x44: {  	_ =	shalt  }
0x45: {  	_ =	shalt  }
0x46: {  	_ =	shalt  }
0x47: {  	_ =	shalt  }
0x48: {  	_ =	shalt  }
0x49: {  	_ =	shalt  }
0x4a: {  	_ =	shalt  }
0x4b: {  	_ =	shalt  }
0x4c: {  	_ =	shalt  }
0x4d: {  	_ =	shalt  }
0x4e: {  	_ =	shalt  }
0x4f: {  	_ =	shalt  }
0x50: {  	_ =	shalt  }
0x51: {  	_ =	shalt  }
0x52: {  	_ =	shalt  }
0x53: {  	_ =	shalt  }
0x54: {  	_ =	shalt  }
0x55: {  	_ =	shalt  }
0x56: {  	_ =	shalt  }
0x57: {  	_ =	shalt  }
0x58: {  	_ =	shalt  }
0x59: {  	_ =	shalt  }
0x5a: {  	_ =	shalt  }
0x5b: {  	_ =	shalt  }
0x5c: {  	_ =	shalt  }
0x5d: {  	_ =	shalt  }
0x5e: {  	_ =	shalt  }
0x5f: {  	_ =	shalt  }
0x60: {  	_ =	shalt  }
0x61: {  	_ =	shalt  }
0x62: {  	_ =	shalt  }
0x63: {  	_ =	shalt  }
0x64: {  	_ =	shalt  }
0x65: {  	_ =	shalt  }
0x66: {  	_ =	shalt  }
0x67: {  	_ =	shalt  }
0x68: {  	_ =	shalt  }
0x69: {  	_ =	shalt  }
0x6a: {  	_ =	shalt  }
0x6b: {  	_ =	shalt  }
0x6c: {  	_ =	shalt  }
0x6d: {  	_ =	shalt  }
0x6e: {  	_ =	shalt  }
0x6f: {  	_ =	shalt  }
0x70: {  	_ =	shalt  }
0x71: {  	_ =	shalt  }
0x72: {  	_ =	shalt  }
0x73: {  	_ =	shalt  }
0x74: {  	_ =	shalt  }
0x75: {  	_ =	shalt  }
0x76: {  	_ =	shalt  }
0x77: {  	_ =	shalt  }
0x78: {  	_ =	shalt  }
0x79: {  	_ =	shalt  }
0x7a: {  	_ =	shalt  }
0x7b: {  	_ =	shalt  }
0x7c: {  	_ =	shalt  }
0x7d: {  	_ =	shalt  }
0x7e: {  	_ =	shalt  }
0x7f: {  	_ =	shalt  }
0x80: {  	_ =	shalt  }
0x81: {  	_ =	shalt  }
0x82: {  	_ =	shalt  }
0x83: {  	_ =	shalt  }
0x84: {  	_ =	shalt  }
0x85: {  	_ =	shalt  }
0x86: {  	_ =	shalt  }
0x87: {  	_ =	shalt  }
.Lfunc_end0:
.L_simem_size_0:
called_computation.1_lowered:
.L_overlay_start_0:
0x88: {  	s2 =	sld [smem:$0x3FD9]  }
0x89: {  	s3 =	sld [smem:$0x3FFE];
	_ =	sdelay $0x1  }
0x8a: {  	s1 =	srdreg.scid  }
0x8b: {  	s0 =	sand.u32 $0x1, s1  }
0x8c: {  	s16 =	sshll.u32 s0, $0xA;
	s2 =	sadd.s32 s3, s2  }
0x8d: {  	s2 =	sadd.s32 s2, s16  }
0x8e: {  	[smem:$0x3FB6] =	sst s2  }
0x8f: {  	_ = 	snop  }
0x90: {  	(tm) =	ssettm $0x1  }
0x91: {  	s17 =	sld [smem:$0x3FFB];
	_ =	sdelay $0x3  }
0x92: {  	_ =	strace s17  }
0x93: {  	s2 =	sld [smem:$0x3FFC];
	_ =	sdelay $0x3  }
0x94: {  	_ =	strace s2  }
0x95: {  	s2 =	sld [smem:$0x3FFD];
	_ =	sdelay $0x3  }
0x96: {  	_ =	strace s2  }
0x97: {  	_ =	strace $0x8FFFFFFF  }
0x98: {  	s18 =	sld [smem:$0x3FDB];
	_ =	sdelay $0x1  }
0x99: {  	s19 =	simm.s32 $_scs_section_size  }
0x9a: {  	s4 =	simm.s32 $_size__tile_overlayer_lowered;
	s5 =	simm.s32 $_tile_overlayer_lowered  }
0x9b: {  	s22 =	simm.s32 $0x1BFF;
	s21 =	sshll.u32 s5, $0x1;
	s2 =	sadd.s32 s19, s18  }
0x9c: {  	s6 =	simm.s32 $0x0;
	s20 =	sshll.u32 s4, $0x1;
	s4 =	sadd.s32 s21, s2  }
0x9d: {  	[timem:s6], [sflag:s22] =	dma.local [hbm:s4], s20  }
0x9e: {  	_ =	swait.ge [sflag:s22], s20  }
0x9f: {  	s3 =	ssub.s32 $0x0, s20;
	[sflag:s22] =	ssyncset.done $0x0  }
0xa0: {  	[sflag:s22] =	ssyncadd.s32 s3;
	_ =	sdelay $0x1  }
0xa1: {  	s23 =	simm.s32 $0x1B8B  }
0xa2: {  	_ =	swait.ge [sflag:s23], $0x1  }
0xa3: {  	[sflag:s23] =	ssyncset.done $0x0  }
0xa4: {  	s25 =	simm.s32 $0x1B8E;
	s24 =	sld [smem:$0x3FFE];
	[sflag:s23] =	ssyncadd.s32 $0xFFFFFFFF  }
0xa5: {  	s26 =	simm.s32 $execute0_lowered;
	[smem:$0x3FD2] =	sst s25  }
0xa6: {  	s4 =	sshll.u32 s26, $0x1;
	_ =	strace $0x80000049;
	[dreg:$0x1] =	wrdreg $0xFFFFFFFF  }
0xa7: {  	s28 =	simm.s32 $_size_execute0_lowered;
	s2 =	sadd.s32 s2, s4;
	[dreg:$0x0] =	wrdreg $0x0  }
0xa8: {  	s4 =	sshll.u32 s28, $0x1;
	[dreg:$0x2] =	wrdreg s2  }
0xa9: {  	[dreg:$0x3] =	wrdreg s4  }
0xaa: {  	[dreg:$0x4] =	wrdreg $0xC0  }
0xab: {  	_ =	task [dreg:s6], $0x5FFFF  }
0xac: {  	[dreg:$0x1] =	wrdreg $0xFFFFFFFF  }
0xad: {  	[dreg:$0x0] =	wrdreg $0x60  }
0xae: {  	[dreg:$0x2] =	wrdreg s24  }
0xaf: {  	[dreg:$0x3] =	wrdreg $0x82000  }
0xb0: {  	[dreg:$0x4] =	wrdreg $0x9  }
0xb1: {  	_ =	task.clear_ibuf [dreg:s6], $0x5FFFF;
	_ =	strace $0x90000049  }
0xb2: {  	s29 =	simm.s32 $0x9;
	_ =	strace $0x8000004B  }
0xb3: {  	_ =	swait.ge [sflag:s29], $0x1  }
0xb4: {  	[sflag:s29] =	ssyncadd.s32 $0xFFFFFFFF  }
0xb5: {  	_ =	strace $0x9000004B  }
0xb6: {  	_ =	sfence  }
0xb7: {  	s30 =	sld [smem:$0x0];
	_ =	sdelay $0x2  }
0xb8: {  	s31 =	sshll.u32 s1, $0xD;
	s1 =	sshrl.u32 s1, $0x2  }
0xb9: {  	s3 =	sand.u32 $0x4000, s31;
	s1 =	sadd.s32 s1, s30  }
0xba: {  	s0 =	sor.u32 s3, s0;
	s1 =	sshll.u32 s1, $0x11  }
0xbb: {  	s0 =	sor.u32 s1, s0  }
0xbc: {  	s0 =	sadd.s32 $0x8F2B, s0  }
0xbd: {  	[sflag:s0] =	ssyncadd.remote.s32 $0x1  }
0xbe: {  	_ =	sfence.sel $0xFFFF  }
0xbf: {  	[dreg:$0x0] =	wrdreg $0xFFFFFFFF;
	(pc) =	sbr.abs _section_cstart, $3  }
0xc0: {  	[dreg:$0x1] =	wrdreg $0xFFFFFFFF  }
0xc1: {  	_ =	task.clear_ibuf [dreg:s6], $0x2FFFF;
	_ =	strace $0x9FFFFFFF  }
0xc2: {  	(tm) =	ssettm $0x7FFFFFFF  }
0xc3: {  	_ =	shalt  }
tec
execute0_lowered:
.L_overlay_start_1:
0x0: {  	(tag) =	ssettag $0x1  }
0x1: {  	s5 =	rddreg [dreg:$0x0]  }
0x2: {  	s1 =	rddreg [dreg:$0x1];
	s2 =	simm.s32 $0x0  }
0x3: {  	s3 =	srdreg.scid;
	s19 =	simm.s32 $0x3;
	s20 =	simm.s32 $0x80  }
0x4: {  	s21 =	simm.s32 $0x100;
	s22 =	simm.s32 $0x180;
	s23 =	simm.s32 $0x4200  }
0x5: {  	s24 =	simm.s32 $0x1;
	s25 =	simm.s32 $0x2;
	s7 =	sand.u32 $0x1, s3  }
0x6: {  	s26 =	simm.s32 $0x0;
	s3 =	stileid.u32;
	s6 =	smul.u32 $0x140000, s7  }
0x7: {  	[smem:$0x7FF] =	sst s2;
	s4 =	sadd.s32 $0x17600, s5;
	s8 =	smul.u32 $0x14000, s3  }
0x8: {  	s17 =	sadd.s32 $0x3A00, s5;
	s16 =	sadd.s32 $0xD800, s5;
	s11 =	smul.u32 $0x50000, s3  }
0x9: {  	_ =	strace $0x8000004A;
	s9 =	sshll.u32 s3, $0x1;
	s13 =	smul.u32 $0x4F00, s3  }
0xa: {  	s28 =	ssub.s32 $0x2, s7;
	s14 =	smul.u32 $0x2780, s7;
	s9 =	sor.u32 s7, s9  }
0xb: {  	s10 =	sshrl.u32 s28, $0x1;
	s6 =	sadd.s32 s8, s6;
	s9 =	smul.u32 $0x2780, s9  }
0xc: {  	s10 =	ssub.s32 s28, s10;
	s30 =	sshrl.u32 s11, $0x2;
	s13 =	sadd.s32 s14, s13  }
0xd: {  	s6 =	sshrl.u32 s6, $0x3;
	s15 =	sshrl.u32 s13, $0x3;
	s18 =	sadd.s32 $0x80, s13  }
0xe: {  	s12 =	sadd.s32 s6, s5;
	s29 =	sshrl.u32 s9, $0x3;
	s5 =	sadd.s32 s30, s1  }
0xf: {  	s9 =	smax.u32 s10, $0x1;
	s14 =	sadd.s32 s15, s16;
	s18 =	sshrl.u32 s18, $0x3  }
0x10: {  	s15 =	sadd.s32 s15, s17;
	s31 =	sadd.s32 $0x4E0, s29;
	s8 =	sadd.s32 $0x3F600, s12  }
0x11: {  	s10 =	sadd.s32 $0x4000, s5;
	s11 =	sadd.s32 $0x8000, s5;
	s12 =	sadd.s32 $0xC000, s5  }
0x12: {  	s13 =	sadd.s32 $0x10000, s5;
	s6 =	sadd.s32 s17, s31;
	s7 =	sadd.s32 s16, s31  }
0x13: {  	v0 =	vimm.f32 $0.0e+00;
	s16 =	sadd.s32 s18, s16;
	s17 =	sadd.s32 s18, s17;
	s18 =	simm.s32 $0x200  }
.LBB2_1:
0x14: {  	s28 =	simm.s32 $0x0;
	s29 =	simm.s32 $0x200  }
.LBB2_2:
0x15: {  	p0 =	sne.s32 s29, $0xFE00;
	[tilespmem:s28+$0x270] =	vst v0  }
0x16: {  	[tilespmem:s28+$0x200] =	vst v0  }
0x17: {  	[tilespmem:s28+$0x210] =	vst v0  }
.Ltmp0:
0x18: {  	[tilespmem:s28+$0x220] =	vst v0;
	(pc) =	sbr.rel @p0 .LBB2_2-.Ltmp0, $4  }
0x19: {  	[tilespmem:s28+$0x230] =	vst v0  }
0x1a: {  	[tilespmem:s28+$0x240] =	vst v0  }
0x1b: {  	[tilespmem:s28+$0x250] =	vst v0  }
0x1c: {  	[tilespmem:s28+$0x260] =	vst v0;
	s28 =	sshra.s32 s29, $0x2;
	s29 =	sadd.s32 $0x200, s29  }
0x1d: {  	[tilespmem:s28+$0x270] =	vst v0  }
0x1e: {  	[tilespmem:s28+$0x200] =	vst v0  }
0x1f: {  	[tilespmem:s28+$0x210] =	vst v0  }
0x20: {  	[tilespmem:s28+$0x220] =	vst v0  }
0x21: {  	[tilespmem:s28+$0x230] =	vst v0  }
0x22: {  	[tilespmem:s28+$0x240] =	vst v0  }
0x23: {  	[tilespmem:s28+$0x250] =	vst v0  }
0x24: {  	[tilespmem:s28+$0x260] =	vst v0  }
0x25: {  	[spmem:s5] =	stream.linear.scatter [tilespmem:s18], [sflag:$0x3], $0x4000, $0x38;
	[tilespmem:$0x1C200] =	vst v63  }
0x26: {  	_ =	swait.ge [sflag:s19], $0x4000  }
0x27: {  	[sflag:s19] =	ssyncset.done $0x0  }
0x28: {  	[sflag:s19] =	ssyncadd.s32 $0xFFFFC000  }
0x29: {  	[spmem:s10] =	stream.linear.scatter [tilespmem:s18], [sflag:$0x3], $0x4000, $0x38;
	[tilespmem:$0x1C200] =	vst v63  }
0x2a: {  	_ =	swait.ge [sflag:s19], $0x4000  }
0x2b: {  	[sflag:s19] =	ssyncset.done $0x0  }
0x2c: {  	[sflag:s19] =	ssyncadd.s32 $0xFFFFC000  }
0x2d: {  	[spmem:s11] =	stream.linear.scatter [tilespmem:s18], [sflag:$0x3], $0x4000, $0x38;
	[tilespmem:$0x1C200] =	vst v63  }
0x2e: {  	_ =	swait.ge [sflag:s19], $0x4000  }
0x2f: {  	[sflag:s19] =	ssyncset.done $0x0  }
0x30: {  	[sflag:s19] =	ssyncadd.s32 $0xFFFFC000  }
0x31: {  	[spmem:s12] =	stream.linear.scatter [tilespmem:s18], [sflag:$0x3], $0x4000, $0x38;
	[tilespmem:$0x1C200] =	vst v63  }
0x32: {  	_ =	swait.ge [sflag:s19], $0x4000  }
0x33: {  	[sflag:s19] =	ssyncset.done $0x0  }
0x34: {  	[sflag:s19] =	ssyncadd.s32 $0xFFFFC000  }
0x35: {  	[spmem:s13] =	stream.linear.scatter [tilespmem:s18], [sflag:$0x3], $0x4000, $0x38;
	[tilespmem:$0x1C200] =	vst v63  }
0x36: {  	_ =	swait.ge [sflag:s19], $0x4000  }
0x37: {  	[sflag:s19] =	ssyncset.done $0x0  }
0x38: {  	[sflag:s19] =	ssyncadd.s32 $0xFFFFC000  }
0x39: {  	s28 =	sadd.s32 $0x0, s15;
	[bflag:$0x0] =	sbarrier.arrive $0xFFFF  }
0x3a: {  	[tilespmem:s2], [sflag:$0x3] =	stream.linear.gather [hbm4b:s28+s2], $0x80, $0x38;
	[tilespmem:$0x1C200] =	vst v63  }
0x3b: {  	_ =	swait.ge [sflag:s19], $0x80  }
0x3c: {  	[sflag:s19] =	ssyncset.done $0x0  }
0x3d: {  	s28 =	sadd.s32 $0x0, s14;
	[sflag:s19] =	ssyncadd.s32 $0xFFFFFF80  }
0x3e: {  	[tilespmem:s20], [sflag:$0x3] =	stream.linear.gather [hbm4b:s28+s2], $0x80, $0x38;
	[tilespmem:$0x1C200] =	vst v63  }
0x3f: {  	_ =	swait.ge [sflag:s19], $0x80  }
0x40: {  	[sflag:s19] =	ssyncset.done $0x0  }
0x41: {  	[sflag:s19] =	ssyncadd.s32 $0xFFFFFF80  }
0x42: {  	[tilespmem:s18], [sflag:$0x1] =	stream.indirect.gather [hbm4b:s4+s20], $0x80, s2, s20, $0xb8;
	[tilespmem:$0x1C200] =	vst v63  }
0x43: {  	s28 =	sadd.s32 $0x0, s17  }
0x44: {  	[tilespmem:s21], [sflag:$0x3] =	stream.linear.gather [hbm4b:s28+s2], $0x80, $0x38;
	[tilespmem:$0x1C200] =	vst v63  }
0x45: {  	_ =	swait.ge [sflag:s19], $0x80  }
0x46: {  	[sflag:s19] =	ssyncset.done $0x0  }
0x47: {  	s28 =	sadd.s32 $0x0, s16;
	[sflag:s19] =	ssyncadd.s32 $0xFFFFFF80  }
0x48: {  	[tilespmem:s22], [sflag:$0x3] =	stream.linear.gather [hbm4b:s28+s2], $0x80, $0x38;
	[tilespmem:$0x1C200] =	vst v63  }
0x49: {  	_ =	swait.ge [sflag:s19], $0x80  }
0x4a: {  	[sflag:s19] =	ssyncset.done $0x0  }
0x4b: {  	[sflag:s19] =	ssyncadd.s32 $0xFFFFFF80  }
0x4c: {  	[tilespmem:s23], [sflag:$0x2] =	stream.indirect.gather [hbm4b:s4+s20], $0x80, s21, s20, $0xb8;
	[tilespmem:$0x1C200] =	vst v63  }
0x4d: {  	_ =	swait.ge [sflag:s24], $0x4000  }
0x4e: {  	[sflag:s24] =	ssyncset.done $0x0  }
0x4f: {  	[sflag:s24] =	ssyncadd.s32 $0xFFFFC000  }
0x50: {  	[spmem:s1] =	stream.indirect.scatter.add.f32 [tilespmem:s18], [sflag:$0x3], $0x80, s20, s20, $0xb8;
	[tilespmem:$0x1C200] =	vst v63  }
0x51: {  	_ =	swait.ge [sflag:s19], $0x4000  }
0x52: {  	[sflag:s19] =	ssyncset.done $0x0  }
0x53: {  	[sflag:s19] =	ssyncadd.s32 $0xFFFFC000  }
0x54: {  	_ =	swait.ge [sflag:s25], $0x4000  }
0x55: {  	[sflag:s25] =	ssyncset.done $0x0  }
0x56: {  	[sflag:s25] =	ssyncadd.s32 $0xFFFFC000  }
0x57: {  	[spmem:s1] =	stream.indirect.scatter.add.f32 [tilespmem:s23], [sflag:$0x3], $0x80, s22, s20, $0xb8;
	[tilespmem:$0x1C200] =	vst v63  }
0x58: {  	_ =	swait.ge [sflag:s19], $0x4000  }
0x59: {  	s30 =	simm.s32 $0x40;
	s28 =	simm.s32 $0x20;
	[sflag:s19] =	ssyncset.done $0x0  }
.LBB2_4:
0x5a: {  	s31 =	sadd.s32 s28, s15  }
0x5b: {  	[sflag:s19] =	ssyncadd.s32 $0xFFFFC000;
	s0 =	smov.u32 s30;
	s29 =	sadd.s32 $0x20, s30  }
0x5c: {  	[tilespmem:s2], [sflag:$0x3] =	stream.linear.gather [hbm4b:s31+s2], $0x80, $0x38;
	[tilespmem:$0x1C200] =	vst v63  }
0x5d: {  	p0 =	sne.s32 s30, $0x4C0;
	_ =	swait.ge [sflag:s19], $0x80  }
0x5e: {  	[sflag:s19] =	ssyncset.done $0x0  }
0x5f: {  	s30 =	sadd.s32 s28, s14;
	[sflag:s19] =	ssyncadd.s32 $0xFFFFFF80  }
0x60: {  	[tilespmem:s20], [sflag:$0x3] =	stream.linear.gather [hbm4b:s30+s2], $0x80, $0x38;
	[tilespmem:$0x1C200] =	vst v63  }
0x61: {  	_ =	swait.ge [sflag:s19], $0x80  }
0x62: {  	[sflag:s19] =	ssyncset.done $0x0  }
0x63: {  	[sflag:s19] =	ssyncadd.s32 $0xFFFFFF80  }
0x64: {  	[tilespmem:s18], [sflag:$0x1] =	stream.indirect.gather [hbm4b:s4+s20], $0x80, s2, s20, $0xb8;
	[tilespmem:$0x1C200] =	vst v63  }
0x65: {  	s30 =	sadd.s32 s28, s17  }
0x66: {  	[tilespmem:s21], [sflag:$0x3] =	stream.linear.gather [hbm4b:s30+s2], $0x80, $0x38;
	[tilespmem:$0x1C200] =	vst v63  }
0x67: {  	_ =	swait.ge [sflag:s19], $0x80  }
0x68: {  	[sflag:s19] =	ssyncset.done $0x0  }
0x69: {  	s30 =	sadd.s32 s28, s16;
	s28 =	smov.u32 s0;
	[sflag:s19] =	ssyncadd.s32 $0xFFFFFF80  }
0x6a: {  	[tilespmem:s22], [sflag:$0x3] =	stream.linear.gather [hbm4b:s30+s2], $0x80, $0x38;
	[tilespmem:$0x1C200] =	vst v63  }
0x6b: {  	_ =	swait.ge [sflag:s19], $0x80  }
0x6c: {  	[sflag:s19] =	ssyncset.done $0x0  }
0x6d: {  	[sflag:s19] =	ssyncadd.s32 $0xFFFFFF80  }
0x6e: {  	[tilespmem:s23], [sflag:$0x2] =	stream.indirect.gather [hbm4b:s4+s20], $0x80, s21, s20, $0xb8;
	[tilespmem:$0x1C200] =	vst v63  }
0x6f: {  	_ =	swait.ge [sflag:s24], $0x4000  }
0x70: {  	[sflag:s24] =	ssyncset.done $0x0  }
0x71: {  	[sflag:s24] =	ssyncadd.s32 $0xFFFFC000  }
0x72: {  	[spmem:s1] =	stream.indirect.scatter.add.f32 [tilespmem:s18], [sflag:$0x3], $0x80, s20, s20, $0xb8;
	[tilespmem:$0x1C200] =	vst v63  }
0x73: {  	_ =	swait.ge [sflag:s19], $0x4000  }
0x74: {  	[sflag:s19] =	ssyncset.done $0x0  }
0x75: {  	[sflag:s19] =	ssyncadd.s32 $0xFFFFC000  }
0x76: {  	_ =	swait.ge [sflag:s25], $0x4000  }
.Ltmp1:
0x77: {  	[sflag:s25] =	ssyncset.done $0x0;
	(pc) =	sbr.rel @p0 .LBB2_4-.Ltmp1, $4  }
0x78: {  	[sflag:s25] =	ssyncadd.s32 $0xFFFFC000  }
0x79: {  	[spmem:s1] =	stream.indirect.scatter.add.f32 [tilespmem:s23], [sflag:$0x3], $0x80, s22, s20, $0xb8;
	[tilespmem:$0x1C200] =	vst v63  }
0x7a: {  	_ =	swait.ge [sflag:s19], $0x4000  }
0x7b: {  	s30 =	smov.u32 s29;
	[sflag:s19] =	ssyncset.done $0x0  }
0x7c: {  	s0 =	sadd.s32 s28, s15;
	[sflag:s19] =	ssyncadd.s32 $0xFFFFC000  }
0x7d: {  	[tilespmem:s2], [sflag:$0x3] =	stream.linear.gather [hbm4b:s0+s2], $0x80, $0x38;
	[tilespmem:$0x1C200] =	vst v63  }
0x7e: {  	_ =	swait.ge [sflag:s19], $0x80  }
0x7f: {  	[sflag:s19] =	ssyncset.done $0x0  }
0x80: {  	s30 =	sadd.s32 s28, s14;
	[sflag:s19] =	ssyncadd.s32 $0xFFFFFF80  }
0x81: {  	[tilespmem:s20], [sflag:$0x3] =	stream.linear.gather [hbm4b:s30+s2], $0x80, $0x38;
	[tilespmem:$0x1C200] =	vst v63  }
0x82: {  	_ =	swait.ge [sflag:s19], $0x80  }
0x83: {  	[sflag:s19] =	ssyncset.done $0x0  }
0x84: {  	[sflag:s19] =	ssyncadd.s32 $0xFFFFFF80  }
0x85: {  	[tilespmem:s18], [sflag:$0x1] =	stream.indirect.gather [hbm4b:s4+s20], $0x80, s2, s20, $0xb8;
	[tilespmem:$0x1C200] =	vst v63  }
0x86: {  	s31 =	sadd.s32 s28, s17  }
0x87: {  	[tilespmem:s21], [sflag:$0x3] =	stream.linear.gather [hbm4b:s31+s2], $0x80, $0x38;
	[tilespmem:$0x1C200] =	vst v63  }
0x88: {  	_ =	swait.ge [sflag:s19], $0x80  }
0x89: {  	[sflag:s19] =	ssyncset.done $0x0  }
0x8a: {  	s29 =	sadd.s32 s28, s16;
	[sflag:s19] =	ssyncadd.s32 $0xFFFFFF80  }
0x8b: {  	[tilespmem:s22], [sflag:$0x3] =	stream.linear.gather [hbm4b:s29+s2], $0x80, $0x38;
	[tilespmem:$0x1C200] =	vst v63  }
0x8c: {  	_ =	swait.ge [sflag:s19], $0x80  }
0x8d: {  	[sflag:s19] =	ssyncset.done $0x0  }
0x8e: {  	[sflag:s19] =	ssyncadd.s32 $0xFFFFFF80  }
0x8f: {  	[tilespmem:s23], [sflag:$0x2] =	stream.indirect.gather [hbm4b:s4+s20], $0x80, s21, s20, $0xb8;
	[tilespmem:$0x1C200] =	vst v63  }
0x90: {  	_ =	swait.ge [sflag:s24], $0x4000  }
0x91: {  	[sflag:s24] =	ssyncset.done $0x0  }
0x92: {  	[sflag:s24] =	ssyncadd.s32 $0xFFFFC000  }
0x93: {  	[spmem:s1] =	stream.indirect.scatter.add.f32 [tilespmem:s18], [sflag:$0x3], $0x80, s20, s20, $0xb8;
	[tilespmem:$0x1C200] =	vst v63  }
0x94: {  	_ =	swait.ge [sflag:s19], $0x4000  }
0x95: {  	[sflag:s19] =	ssyncset.done $0x0  }
0x96: {  	[sflag:s19] =	ssyncadd.s32 $0xFFFFC000  }
0x97: {  	_ =	swait.ge [sflag:s25], $0x4000  }
0x98: {  	[sflag:s25] =	ssyncset.done $0x0  }
0x99: {  	[sflag:s25] =	ssyncadd.s32 $0xFFFFC000  }
0x9a: {  	[spmem:s1] =	stream.indirect.scatter.add.f32 [tilespmem:s23], [sflag:$0x3], $0x80, s22, s20, $0xb8;
	[tilespmem:$0x1C200] =	vst v63  }
0x9b: {  	_ =	swait.ge [sflag:s19], $0x4000  }
0x9c: {  	[sflag:s19] =	ssyncset.done $0x0  }
0x9d: {  	[sflag:s19] =	ssyncadd.s32 $0xFFFFC000  }
0x9e: {  	[tilespmem:s2], [sflag:$0x3] =	stream.linear.gather [hbm4b:s6+s2], $0x80, $0x38;
	[tilespmem:$0x1C200] =	vst v63  }
0x9f: {  	_ =	swait.ge [sflag:s19], $0x80  }
0xa0: {  	[sflag:s19] =	ssyncset.done $0x0  }
0xa1: {  	[sflag:s19] =	ssyncadd.s32 $0xFFFFFF80  }
0xa2: {  	[tilespmem:s20], [sflag:$0x3] =	stream.linear.gather [hbm4b:s7+s2], $0x80, $0x38;
	[tilespmem:$0x1C200] =	vst v63  }
0xa3: {  	_ =	swait.ge [sflag:s19], $0x80  }
0xa4: {  	[sflag:s19] =	ssyncset.done $0x0  }
0xa5: {  	[sflag:s19] =	ssyncadd.s32 $0xFFFFFF80  }
0xa6: {  	[tilespmem:s18], [sflag:$0x1] =	stream.indirect.gather [hbm4b:s4+s20], $0x80, s2, s20, $0xb8;
	[tilespmem:$0x1C200] =	vst v63  }
0xa7: {  	_ =	swait.ge [sflag:s24], $0x4000  }
0xa8: {  	[sflag:s24] =	ssyncset.done $0x0  }
0xa9: {  	[sflag:s24] =	ssyncadd.s32 $0xFFFFC000  }
0xaa: {  	[spmem:s1] =	stream.indirect.scatter.add.f32 [tilespmem:s18], [sflag:$0x3], $0x80, s20, s20, $0xb8;
	[tilespmem:$0x1C200] =	vst v63  }
0xab: {  	_ =	swait.ge [sflag:s19], $0x4000  }
0xac: {  	s26 =	sadd.s32 $0x1, s26;
	s30 =	sshll.u32 s3, $0x6;
	[sflag:s19] =	ssyncset.done $0x0  }
0xad: {  	p0 =	sne.s32 s26, s9;
	s0 =	sor.u32 $0x1C03, s30;
	[sflag:s19] =	ssyncadd.s32 $0xFFFFC000  }
.Ltmp2:
0xae: {  	s31 =	sshrl.u32 s5, $0x3;
	[bflag:$0x0] =	sbarrier.arrive $0xFFFF;
	(pc) =	sbr.rel @p0 .LBB2_1-.Ltmp2, $4  }
0xaf: {  	[hbm:s8], [sflag:s0] =	dma.local [spmem:s31], $0x2800  }
0xb0: {  	_ =	swait.ge [sflag:s19], $0x2800  }
0xb1: {  	[sflag:s19] =	ssyncset.done $0x0  }
0xb2: {  	[sflag:s19] =	ssyncadd.s32 $0xFFFFD800  }
0xb3: {  	_ =	sfence.sel $0x180000  }
0xb4: {  	[bflag:$0x0] =	sbarrier.arrive $0xFFFF  }
0xb5: {  	_ =	strace $0x9000004A  }
0xb6: {  	[bflag:$0x2] =	sbarrier.arrive $0xFFFF  }
0xb7: {  	p0 =	sne.s32 s3, $0x0;
	s0 =	rddreg [dreg:$0x2]  }
0xb8: {  	s0 =	sadd.s32 @!p0 $0x100000, s0  }
0xb9: {  	[sflag:s0] =	ssyncadd.tile.s32 @!p0 $0x1;
	_ =	shalt  }
.Lfunc_end2:
_tile_overlayer_lowered:
.L_overlay_start_2:
0xba: {  	(tag) =	ssettag $0x2  }
0xbb: {  	s0 =	rddreg [dreg:$0x0];
	s2 =	stileid.u32  }
0xbc: {  	s1 =	rddreg [dreg:$0x1];
	p0 =	sne.s32 s2, $0x0  }
0xbd: {  	s3 =	rddreg [dreg:$0x2];
	[bflag:$0x3] =	sbarrier.arrive $0xFFFF;
	s2 =	simm.s32 @!p0 $0x1C03  }
0xbe: {  	[timem:s3], [sflag:s2] =	dma.local @!p0 [hbm:s0], s1  }
0xbf: {  	s0 =	simm.s32 @!p0 $0x3  }
0xc0: {  	_ =	swait.ge @!p0 [sflag:s0], s1  }
0xc1: {  	s1 =	ssub.s32 @!p0 $0x0, s1;
	[sflag:s0] =	ssyncset.done @!p0 $0x0  }
0xc2: {  	[sflag:s0] =	ssyncadd.s32 @!p0 s1  }
0xc3: {  	[bflag:$0x3] =	sbarrier.arrive $0xFFFF  }
0xc4: {  	_ =	shalt  }

// kernel: kernel.15.cloned.1.call-start
scs
__scs_entry_jumppad:
0x0: {  	(pc) =	sbr.rel $0x88, $3  }
0x1: {  	(tag) =	ssettag $0x0;
	lr =	simm.s32 $0x1  }
0x2: {  	[smem:$0x3F8F] =	sst lr;
	_ =	strace $0xD0000000  }
0x3: {  	_ = 	snop  }
0x4: {  	_ = 	snop  }
0x5: {  	_ = 	snop  }
0x6: {  	_ = 	snop  }
0x7: {  	_ = 	snop  }
__scs_overlays_trampoline_lowered:
0x8: {  	[smem:$0x3F9E] =	sst s0  }
0x9: {  	[smem:$0x3F9F] =	sst s1  }
0xa: {  	[smem:$0x3FA0] =	sst s2  }
0xb: {  	[smem:$0x3FA1] =	sst s3  }
0xc: {  	[smem:$0x3FA2] =	sst s4  }
0xd: {  	[smem:$0x3FA3] =	sst s5  }
0xe: {  	[smem:$0x3FA4] =	sst s6  }
0xf: {  	[smem:$0x3FA5] =	sst s7  }
0x10: {  	[smem:$0x3FA6] =	sst s8  }
0x11: {  	[smem:$0x3FA7] =	sst s9;
	s0 =	simm.s32 @!p0 $0x0  }
0x12: {  	s1 =	sld [smem:$0x3F8D];
	s0 =	simm.s32 @p0 $0x1  }
0x13: {  	[smem:$0x3FA8] =	sst s0;
	s0 =	simm.s32 @!p1 $0x0  }
0x14: {  	s2 =	sld [smem:$0x3F8C];
	s0 =	simm.s32 @p1 $0x1  }
0x15: {  	[smem:$0x3FA9] =	sst s0;
	s0 =	simm.s32 @!p2 $0x0  }
0x16: {  	s3 =	sld [smem:$0x3FDB];
	s0 =	simm.s32 @p2 $0x1  }
0x17: {  	s4 =	simm.s32 $0x1BF5;
	[smem:$0x3FAB] =	sst s0  }
0x18: {  	s0 =	sld [smem:$0x3F8E];
	_ =	swait.ge [sflag:s4], $0x0  }
0x19: {  	s7 =	sld [smem:$0x3F8F]  }
0x1a: {  	s8 =	sadd.s32 $0xFFFFE003, lr  }
0x1b: {  	s9 =	sadd.s32 $0xFFFFFEF7, lr;
	s5 =	simm.s32 $0xFFFFFFFF;
	p2 =	slt.u32 s8, $0xFFFFF086  }
0x1c: {  	p1 =	slt.u32 s9, $0xF7A;
	s5 =	simm.s32 @!p2 $0x0  }
0x1d: {  	s5 =	simm.s32 @p1 $0x1;
	p0 =	seq.s32 s7, s2  }
0x1e: {  	s7 =	smul.u32 @!p0 $0xF7A, s2;
	p2 =	seq.s32 @!p0 s5, $0x0  }
0x1f: {  	s9 =	smul.u32 $0xF7A, s1;
	s8 =	simm.s32 @!p0 $0x1BF5;
	p2 =	por !p2, p0  }
0x20: {  	[sflag:s8] =	ssyncset.s32 @!p0 $0xFFFFF086;
	s6 =	sadd.s32 @!p0 s3, s7;
	s7 =	simm.s32 @!p0 $0x108  }
0x21: {  	s3 =	sadd.s32 s3, s9;
	s6 =	sadd.s32 @!p0 $0x88, s6;
	s7 =	simm.s32 @p2 $0x1082  }
0x22: {  	[simem:s7], [sflag:s8] =	dma.local @!p0 [hbm:s6], $0xF7A  }
0x23: {  	s9 =	sor.u32 $0xD0000000, s2;
	s6 =	simm.s32 $0x108;
	_ =	swait.ge @!p0 [sflag:s8], $0x0  }
0x24: {  	s3 =	sadd.s32 $0x88, s3;
	s6 =	simm.s32 @!p1 $0x1082;
	[sflag:s4] =	ssyncset.s32 $0xFFFFF086  }
0x25: {  	[simem:s6], [sflag:s4] =	dma.local [hbm:s3], $0xF7A  }
0x26: {  	[smem:$0x3F8F] =	sst s1;
	(tag) =	ssettag s2;
	_ =	strace s9  }
0x27: {  	s1 =	sld [smem:$0x3F9F]  }
0x28: {  	s2 =	sld [smem:$0x3FA0]  }
0x29: {  	s4 =	sld [smem:$0x3FA2]  }
0x2a: {  	p0 =	seq.s32 s5, $0x0;
	s5 =	sld [smem:$0x3FA3]  }
0x2b: {  	s6 =	sld [smem:$0x3FA4]  }
0x2c: {  	s7 =	sld [smem:$0x3FA5]  }
0x2d: {  	s3 =	simm.s32 $0x108;
	s8 =	sld [smem:$0x3FA6]  }
0x2e: {  	s3 =	simm.s32 @!p0 $0x1082;
	s9 =	sld [smem:$0x3FA7]  }
0x2f: {  	lr =	sadd.s32 s0, s3;
	s0 =	sld [smem:$0x3F9E]  }
0x30: {  	s3 =	sld [smem:$0x3FA1]  }
0x31: {  	[smem:$0x3FAA] =	sst s10  }
0x32: {  	s10 =	sld [smem:$0x3FA8];
	_ =	sdelay $0x3  }
0x33: {  	p0 =	seq.s32 s10, $0x1;
	s10 =	sld [smem:$0x3FAA];
	_ =	sdelay $0x3  }
0x34: {  	[smem:$0x3FAA] =	sst s10  }
0x35: {  	s10 =	sld [smem:$0x3FA9];
	_ =	sdelay $0x3  }
0x36: {  	p1 =	seq.s32 s10, $0x1;
	s10 =	sld [smem:$0x3FAA];
	_ =	sdelay $0x3  }
0x37: {  	[smem:$0x3FAA] =	sst s10  }
0x38: {  	s10 =	sld [smem:$0x3FAB]  }
0x39: {  	_ = 	snop;
	(pc) =	sbr.ind lr, $3  }
0x3a: {  	_ = 	snop  }
0x3b: {  	_ = 	snop  }
0x3c: {  	p2 =	seq.s32 s10, $0x1;
	s10 =	sld [smem:$0x3FAA]  }
0x3d: {  	_ =	shalt  }
0x3e: {  	_ =	shalt  }
0x3f: {  	_ =	shalt  }
0x40: {  	_ =	shalt  }
0x41: {  	_ =	shalt  }
0x42: {  	_ =	shalt  }
0x43: {  	_ =	shalt  }
0x44: {  	_ =	shalt  }
0x45: {  	_ =	shalt  }
0x46: {  	_ =	shalt  }
0x47: {  	_ =	shalt  }
0x48: {  	_ =	shalt  }
0x49: {  	_ =	shalt  }
0x4a: {  	_ =	shalt  }
0x4b: {  	_ =	shalt  }
0x4c: {  	_ =	shalt  }
0x4d: {  	_ =	shalt  }
0x4e: {  	_ =	shalt  }
0x4f: {  	_ =	shalt  }
0x50: {  	_ =	shalt  }
0x51: {  	_ =	shalt  }
0x52: {  	_ =	shalt  }
0x53: {  	_ =	shalt  }
0x54: {  	_ =	shalt  }
0x55: {  	_ =	shalt  }
0x56: {  	_ =	shalt  }
0x57: {  	_ =	shalt  }
0x58: {  	_ =	shalt  }
0x59: {  	_ =	shalt  }
0x5a: {  	_ =	shalt  }
0x5b: {  	_ =	shalt  }
0x5c: {  	_ =	shalt  }
0x5d: {  	_ =	shalt  }
0x5e: {  	_ =	shalt  }
0x5f: {  	_ =	shalt  }
0x60: {  	_ =	shalt  }
0x61: {  	_ =	shalt  }
0x62: {  	_ =	shalt  }
0x63: {  	_ =	shalt  }
0x64: {  	_ =	shalt  }
0x65: {  	_ =	shalt  }
0x66: {  	_ =	shalt  }
0x67: {  	_ =	shalt  }
0x68: {  	_ =	shalt  }
0x69: {  	_ =	shalt  }
0x6a: {  	_ =	shalt  }
0x6b: {  	_ =	shalt  }
0x6c: {  	_ =	shalt  }
0x6d: {  	_ =	shalt  }
0x6e: {  	_ =	shalt  }
0x6f: {  	_ =	shalt  }
0x70: {  	_ =	shalt  }
0x71: {  	_ =	shalt  }
0x72: {  	_ =	shalt  }
0x73: {  	_ =	shalt  }
0x74: {  	_ =	shalt  }
0x75: {  	_ =	shalt  }
0x76: {  	_ =	shalt  }
0x77: {  	_ =	shalt  }
0x78: {  	_ =	shalt  }
0x79: {  	_ =	shalt  }
0x7a: {  	_ =	shalt  }
0x7b: {  	_ =	shalt  }
0x7c: {  	_ =	shalt  }
0x7d: {  	_ =	shalt  }
0x7e: {  	_ =	shalt  }
0x7f: {  	_ =	shalt  }
0x80: {  	_ =	shalt  }
0x81: {  	_ =	shalt  }
0x82: {  	_ =	shalt  }
0x83: {  	_ =	shalt  }
0x84: {  	_ =	shalt  }
0x85: {  	_ =	shalt  }
0x86: {  	_ =	shalt  }
0x87: {  	_ =	shalt  }
.Lfunc_end0:
.L_simem_size_0:
called_computation.2_lowered:
.L_overlay_start_0:
0x88: {  	s2 =	sld [smem:$0x3FD9]  }
0x89: {  	s3 =	sld [smem:$0x3FFE];
	_ =	sdelay $0x1  }
0x8a: {  	s1 =	srdreg.scid  }
0x8b: {  	s0 =	sand.u32 $0x1, s1  }
0x8c: {  	s16 =	sshll.u32 s0, $0xA;
	s2 =	sadd.s32 s3, s2  }
0x8d: {  	s2 =	sadd.s32 s2, s16  }
0x8e: {  	[smem:$0x3FB6] =	sst s2  }
0x8f: {  	_ = 	snop  }
0x90: {  	(tm) =	ssettm $0x1  }
0x91: {  	s17 =	sld [smem:$0x3FFB];
	_ =	sdelay $0x3  }
0x92: {  	_ =	strace s17  }
0x93: {  	s2 =	sld [smem:$0x3FFC];
	_ =	sdelay $0x3  }
0x94: {  	_ =	strace s2  }
0x95: {  	s2 =	sld [smem:$0x3FFD];
	_ =	sdelay $0x3  }
0x96: {  	_ =	strace s2  }
0x97: {  	_ =	strace $0x8FFFFFFF  }
0x98: {  	s18 =	sld [smem:$0x3FDB];
	_ =	sdelay $0x1  }
0x99: {  	s19 =	simm.s32 $_scs_section_size  }
0x9a: {  	s4 =	simm.s32 $_size__tile_overlayer_lowered;
	s5 =	simm.s32 $_tile_overlayer_lowered  }
0x9b: {  	s22 =	simm.s32 $0x1BFF;
	s21 =	sshll.u32 s5, $0x1;
	s2 =	sadd.s32 s19, s18  }
0x9c: {  	s6 =	simm.s32 $0x0;
	s20 =	sshll.u32 s4, $0x1;
	s4 =	sadd.s32 s21, s2  }
0x9d: {  	[timem:s6], [sflag:s22] =	dma.local [hbm:s4], s20  }
0x9e: {  	_ =	swait.ge [sflag:s22], s20  }
0x9f: {  	s3 =	ssub.s32 $0x0, s20;
	[sflag:s22] =	ssyncset.done $0x0  }
0xa0: {  	[sflag:s22] =	ssyncadd.s32 s3;
	_ =	sdelay $0x1  }
0xa1: {  	s23 =	simm.s32 $0x1B8B  }
0xa2: {  	_ =	swait.ge [sflag:s23], $0x1  }
0xa3: {  	[sflag:s23] =	ssyncset.done $0x0  }
0xa4: {  	s25 =	simm.s32 $0x1B8E;
	s24 =	sld [smem:$0x3FFE];
	[sflag:s23] =	ssyncadd.s32 $0xFFFFFFFF  }
0xa5: {  	s26 =	simm.s32 $execute0_lowered;
	[smem:$0x3FD2] =	sst s25  }
0xa6: {  	s4 =	sshll.u32 s26, $0x1;
	_ =	strace $0x8000004C;
	[dreg:$0x1] =	wrdreg $0xFFFFFFFF  }
0xa7: {  	s28 =	simm.s32 $_size_execute0_lowered;
	s2 =	sadd.s32 s2, s4;
	[dreg:$0x0] =	wrdreg $0x0  }
0xa8: {  	s4 =	sshll.u32 s28, $0x1;
	[dreg:$0x2] =	wrdreg s2  }
0xa9: {  	[dreg:$0x3] =	wrdreg s4  }
0xaa: {  	[dreg:$0x4] =	wrdreg $0xC0  }
0xab: {  	_ =	task [dreg:s6], $0x5FFFF  }
0xac: {  	[dreg:$0x1] =	wrdreg $0xFFFFFFFF  }
0xad: {  	[dreg:$0x0] =	wrdreg $0x60  }
0xae: {  	[dreg:$0x2] =	wrdreg s24  }
0xaf: {  	[dreg:$0x3] =	wrdreg $0x82000  }
0xb0: {  	[dreg:$0x4] =	wrdreg $0x9  }
0xb1: {  	_ =	task.clear_ibuf [dreg:s6], $0x5FFFF;
	_ =	strace $0x9000004C  }
0xb2: {  	s29 =	simm.s32 $0x9;
	_ =	strace $0x8000004E  }
0xb3: {  	_ =	swait.ge [sflag:s29], $0x1  }
0xb4: {  	[sflag:s29] =	ssyncadd.s32 $0xFFFFFFFF  }
0xb5: {  	_ =	strace $0x9000004E  }
0xb6: {  	_ =	sfence  }
0xb7: {  	s30 =	sld [smem:$0x0];
	_ =	sdelay $0x2  }
0xb8: {  	s31 =	sshll.u32 s1, $0xD;
	s1 =	sshrl.u32 s1, $0x2  }
0xb9: {  	s3 =	sand.u32 $0x4000, s31;
	s1 =	sadd.s32 s1, s30  }
0xba: {  	s0 =	sor.u32 s3, s0;
	s1 =	sshll.u32 s1, $0x11  }
0xbb: {  	s0 =	sor.u32 s1, s0  }
0xbc: {  	s0 =	sadd.s32 $0x8F2B, s0  }
0xbd: {  	[sflag:s0] =	ssyncadd.remote.s32 $0x1  }
0xbe: {  	_ =	sfence.sel $0xFFFF  }
0xbf: {  	[dreg:$0x0] =	wrdreg $0xFFFFFFFF;
	(pc) =	sbr.abs _section_cstart, $3  }
0xc0: {  	[dreg:$0x1] =	wrdreg $0xFFFFFFFF  }
0xc1: {  	_ =	task.clear_ibuf [dreg:s6], $0x2FFFF;
	_ =	strace $0x9FFFFFFF  }
0xc2: {  	(tm) =	ssettm $0x7FFFFFFF  }
0xc3: {  	_ =	shalt  }
tec
execute0_lowered:
.L_overlay_start_1:
0x0: {  	(tag) =	ssettag $0x1  }
0x1: {  	s5 =	rddreg [dreg:$0x0]  }
0x2: {  	s1 =	rddreg [dreg:$0x1];
	s2 =	simm.s32 $0x0  }
0x3: {  	s3 =	srdreg.scid;
	s19 =	simm.s32 $0x3;
	s20 =	simm.s32 $0x80  }
0x4: {  	s21 =	simm.s32 $0x100;
	s22 =	simm.s32 $0x180;
	s23 =	simm.s32 $0x4200  }
0x5: {  	s24 =	simm.s32 $0x1;
	s25 =	simm.s32 $0x2;
	s7 =	sand.u32 $0x1, s3  }
0x6: {  	s26 =	simm.s32 $0x0;
	s3 =	stileid.u32;
	s6 =	smul.u32 $0x140000, s7  }
0x7: {  	[smem:$0x7FF] =	sst s2;
	s4 =	sadd.s32 $0x17600, s5;
	s8 =	smul.u32 $0x14000, s3  }
0x8: {  	s17 =	sadd.s32 $0x3A00, s5;
	s16 =	sadd.s32 $0xD800, s5;
	s11 =	smul.u32 $0x50000, s3  }
0x9: {  	_ =	strace $0x8000004D;
	s9 =	sshll.u32 s3, $0x1;
	s13 =	smul.u32 $0x4F00, s3  }
0xa: {  	s28 =	ssub.s32 $0x2, s7;
	s14 =	smul.u32 $0x2780, s7;
	s9 =	sor.u32 s7, s9  }
0xb: {  	s10 =	sshrl.u32 s28, $0x1;
	s6 =	sadd.s32 s8, s6;
	s9 =	smul.u32 $0x2780, s9  }
0xc: {  	s10 =	ssub.s32 s28, s10;
	s30 =	sshrl.u32 s11, $0x2;
	s13 =	sadd.s32 s14, s13  }
0xd: {  	s6 =	sshrl.u32 s6, $0x3;
	s15 =	sshrl.u32 s13, $0x3;
	s18 =	sadd.s32 $0x80, s13  }
0xe: {  	s12 =	sadd.s32 s6, s5;
	s29 =	sshrl.u32 s9, $0x3;
	s5 =	sadd.s32 s30, s1  }
0xf: {  	s9 =	smax.u32 s10, $0x1;
	s14 =	sadd.s32 s15, s16;
	s18 =	sshrl.u32 s18, $0x3  }
0x10: {  	s15 =	sadd.s32 s15, s17;
	s31 =	sadd.s32 $0x4E0, s29;
	s8 =	sadd.s32 $0x3F600, s12  }
0x11: {  	s10 =	sadd.s32 $0x4000, s5;
	s11 =	sadd.s32 $0x8000, s5;
	s12 =	sadd.s32 $0xC000, s5  }
0x12: {  	s13 =	sadd.s32 $0x10000, s5;
	s6 =	sadd.s32 s17, s31;
	s7 =	sadd.s32 s16, s31  }
0x13: {  	v0 =	vimm.f32 $0.0e+00;
	s16 =	sadd.s32 s18, s16;
	s17 =	sadd.s32 s18, s17;
	s18 =	simm.s32 $0x200  }
.LBB2_1:
0x14: {  	s28 =	simm.s32 $0x0;
	s29 =	simm.s32 $0x200  }
.LBB2_2:
0x15: {  	p0 =	sne.s32 s29, $0xFE00;
	[tilespmem:s28+$0x270] =	vst v0  }
0x16: {  	[tilespmem:s28+$0x200] =	vst v0  }
0x17: {  	[tilespmem:s28+$0x210] =	vst v0  }
.Ltmp0:
0x18: {  	[tilespmem:s28+$0x220] =	vst v0;
	(pc) =	sbr.rel @p0 .LBB2_2-.Ltmp0, $4  }
0x19: {  	[tilespmem:s28+$0x230] =	vst v0  }
0x1a: {  	[tilespmem:s28+$0x240] =	vst v0  }
0x1b: {  	[tilespmem:s28+$0x250] =	vst v0  }
0x1c: {  	[tilespmem:s28+$0x260] =	vst v0;
	s28 =	sshra.s32 s29, $0x2;
	s29 =	sadd.s32 $0x200, s29  }
0x1d: {  	[tilespmem:s28+$0x270] =	vst v0  }
0x1e: {  	[tilespmem:s28+$0x200] =	vst v0  }
0x1f: {  	[tilespmem:s28+$0x210] =	vst v0  }
0x20: {  	[tilespmem:s28+$0x220] =	vst v0  }
0x21: {  	[tilespmem:s28+$0x230] =	vst v0  }
0x22: {  	[tilespmem:s28+$0x240] =	vst v0  }
0x23: {  	[tilespmem:s28+$0x250] =	vst v0  }
0x24: {  	[tilespmem:s28+$0x260] =	vst v0  }
0x25: {  	[spmem:s5] =	stream.linear.scatter [tilespmem:s18], [sflag:$0x3], $0x4000, $0x38;
	[tilespmem:$0x1C200] =	vst v63  }
0x26: {  	_ =	swait.ge [sflag:s19], $0x4000  }
0x27: {  	[sflag:s19] =	ssyncset.done $0x0  }
0x28: {  	[sflag:s19] =	ssyncadd.s32 $0xFFFFC000  }
0x29: {  	[spmem:s10] =	stream.linear.scatter [tilespmem:s18], [sflag:$0x3], $0x4000, $0x38;
	[tilespmem:$0x1C200] =	vst v63  }
0x2a: {  	_ =	swait.ge [sflag:s19], $0x4000  }
0x2b: {  	[sflag:s19] =	ssyncset.done $0x0  }
0x2c: {  	[sflag:s19] =	ssyncadd.s32 $0xFFFFC000  }
0x2d: {  	[spmem:s11] =	stream.linear.scatter [tilespmem:s18], [sflag:$0x3], $0x4000, $0x38;
	[tilespmem:$0x1C200] =	vst v63  }
0x2e: {  	_ =	swait.ge [sflag:s19], $0x4000  }
0x2f: {  	[sflag:s19] =	ssyncset.done $0x0  }
0x30: {  	[sflag:s19] =	ssyncadd.s32 $0xFFFFC000  }
0x31: {  	[spmem:s12] =	stream.linear.scatter [tilespmem:s18], [sflag:$0x3], $0x4000, $0x38;
	[tilespmem:$0x1C200] =	vst v63  }
0x32: {  	_ =	swait.ge [sflag:s19], $0x4000  }
0x33: {  	[sflag:s19] =	ssyncset.done $0x0  }
0x34: {  	[sflag:s19] =	ssyncadd.s32 $0xFFFFC000  }
0x35: {  	[spmem:s13] =	stream.linear.scatter [tilespmem:s18], [sflag:$0x3], $0x4000, $0x38;
	[tilespmem:$0x1C200] =	vst v63  }
0x36: {  	_ =	swait.ge [sflag:s19], $0x4000  }
0x37: {  	[sflag:s19] =	ssyncset.done $0x0  }
0x38: {  	[sflag:s19] =	ssyncadd.s32 $0xFFFFC000  }
0x39: {  	s28 =	sadd.s32 $0x0, s15;
	[bflag:$0x0] =	sbarrier.arrive $0xFFFF  }
0x3a: {  	[tilespmem:s2], [sflag:$0x3] =	stream.linear.gather [hbm4b:s28+s2], $0x80, $0x38;
	[tilespmem:$0x1C200] =	vst v63  }
0x3b: {  	_ =	swait.ge [sflag:s19], $0x80  }
0x3c: {  	[sflag:s19] =	ssyncset.done $0x0  }
0x3d: {  	s28 =	sadd.s32 $0x0, s14;
	[sflag:s19] =	ssyncadd.s32 $0xFFFFFF80  }
0x3e: {  	[tilespmem:s20], [sflag:$0x3] =	stream.linear.gather [hbm4b:s28+s2], $0x80, $0x38;
	[tilespmem:$0x1C200] =	vst v63  }
0x3f: {  	_ =	swait.ge [sflag:s19], $0x80  }
0x40: {  	[sflag:s19] =	ssyncset.done $0x0  }
0x41: {  	[sflag:s19] =	ssyncadd.s32 $0xFFFFFF80  }
0x42: {  	[tilespmem:s18], [sflag:$0x1] =	stream.indirect.gather [hbm4b:s4+s20], $0x80, s2, s20, $0xb8;
	[tilespmem:$0x1C200] =	vst v63  }
0x43: {  	s28 =	sadd.s32 $0x0, s17  }
0x44: {  	[tilespmem:s21], [sflag:$0x3] =	stream.linear.gather [hbm4b:s28+s2], $0x80, $0x38;
	[tilespmem:$0x1C200] =	vst v63  }
0x45: {  	_ =	swait.ge [sflag:s19], $0x80  }
0x46: {  	[sflag:s19] =	ssyncset.done $0x0  }
0x47: {  	s28 =	sadd.s32 $0x0, s16;
	[sflag:s19] =	ssyncadd.s32 $0xFFFFFF80  }
0x48: {  	[tilespmem:s22], [sflag:$0x3] =	stream.linear.gather [hbm4b:s28+s2], $0x80, $0x38;
	[tilespmem:$0x1C200] =	vst v63  }
0x49: {  	_ =	swait.ge [sflag:s19], $0x80  }
0x4a: {  	[sflag:s19] =	ssyncset.done $0x0  }
0x4b: {  	[sflag:s19] =	ssyncadd.s32 $0xFFFFFF80  }
0x4c: {  	[tilespmem:s23], [sflag:$0x2] =	stream.indirect.gather [hbm4b:s4+s20], $0x80, s21, s20, $0xb8;
	[tilespmem:$0x1C200] =	vst v63  }
0x4d: {  	_ =	swait.ge [sflag:s24], $0x4000  }
0x4e: {  	[sflag:s24] =	ssyncset.done $0x0  }
0x4f: {  	[sflag:s24] =	ssyncadd.s32 $0xFFFFC000  }
0x50: {  	[spmem:s1] =	stream.indirect.scatter.add.f32 [tilespmem:s18], [sflag:$0x3], $0x80, s20, s20, $0xb8;
	[tilespmem:$0x1C200] =	vst v63  }
0x51: {  	_ =	swait.ge [sflag:s19], $0x4000  }
0x52: {  	[sflag:s19] =	ssyncset.done $0x0  }
0x53: {  	[sflag:s19] =	ssyncadd.s32 $0xFFFFC000  }
0x54: {  	_ =	swait.ge [sflag:s25], $0x4000  }
0x55: {  	[sflag:s25] =	ssyncset.done $0x0  }
0x56: {  	[sflag:s25] =	ssyncadd.s32 $0xFFFFC000  }
0x57: {  	[spmem:s1] =	stream.indirect.scatter.add.f32 [tilespmem:s23], [sflag:$0x3], $0x80, s22, s20, $0xb8;
	[tilespmem:$0x1C200] =	vst v63  }
0x58: {  	_ =	swait.ge [sflag:s19], $0x4000  }
0x59: {  	s30 =	simm.s32 $0x40;
	s28 =	simm.s32 $0x20;
	[sflag:s19] =	ssyncset.done $0x0  }
.LBB2_4:
0x5a: {  	s31 =	sadd.s32 s28, s15  }
0x5b: {  	[sflag:s19] =	ssyncadd.s32 $0xFFFFC000;
	s0 =	smov.u32 s30;
	s29 =	sadd.s32 $0x20, s30  }
0x5c: {  	[tilespmem:s2], [sflag:$0x3] =	stream.linear.gather [hbm4b:s31+s2], $0x80, $0x38;
	[tilespmem:$0x1C200] =	vst v63  }
0x5d: {  	p0 =	sne.s32 s30, $0x4C0;
	_ =	swait.ge [sflag:s19], $0x80  }
0x5e: {  	[sflag:s19] =	ssyncset.done $0x0  }
0x5f: {  	s30 =	sadd.s32 s28, s14;
	[sflag:s19] =	ssyncadd.s32 $0xFFFFFF80  }
0x60: {  	[tilespmem:s20], [sflag:$0x3] =	stream.linear.gather [hbm4b:s30+s2], $0x80, $0x38;
	[tilespmem:$0x1C200] =	vst v63  }
0x61: {  	_ =	swait.ge [sflag:s19], $0x80  }
0x62: {  	[sflag:s19] =	ssyncset.done $0x0  }
0x63: {  	[sflag:s19] =	ssyncadd.s32 $0xFFFFFF80  }
0x64: {  	[tilespmem:s18], [sflag:$0x1] =	stream.indirect.gather [hbm4b:s4+s20], $0x80, s2, s20, $0xb8;
	[tilespmem:$0x1C200] =	vst v63  }
0x65: {  	s30 =	sadd.s32 s28, s17  }
0x66: {  	[tilespmem:s21], [sflag:$0x3] =	stream.linear.gather [hbm4b:s30+s2], $0x80, $0x38;
	[tilespmem:$0x1C200] =	vst v63  }
0x67: {  	_ =	swait.ge [sflag:s19], $0x80  }
0x68: {  	[sflag:s19] =	ssyncset.done $0x0  }
0x69: {  	s30 =	sadd.s32 s28, s16;
	s28 =	smov.u32 s0;
	[sflag:s19] =	ssyncadd.s32 $0xFFFFFF80  }
0x6a: {  	[tilespmem:s22], [sflag:$0x3] =	stream.linear.gather [hbm4b:s30+s2], $0x80, $0x38;
	[tilespmem:$0x1C200] =	vst v63  }
0x6b: {  	_ =	swait.ge [sflag:s19], $0x80  }
0x6c: {  	[sflag:s19] =	ssyncset.done $0x0  }
0x6d: {  	[sflag:s19] =	ssyncadd.s32 $0xFFFFFF80  }
0x6e: {  	[tilespmem:s23], [sflag:$0x2] =	stream.indirect.gather [hbm4b:s4+s20], $0x80, s21, s20, $0xb8;
	[tilespmem:$0x1C200] =	vst v63  }
0x6f: {  	_ =	swait.ge [sflag:s24], $0x4000  }
0x70: {  	[sflag:s24] =	ssyncset.done $0x0  }
0x71: {  	[sflag:s24] =	ssyncadd.s32 $0xFFFFC000  }
0x72: {  	[spmem:s1] =	stream.indirect.scatter.add.f32 [tilespmem:s18], [sflag:$0x3], $0x80, s20, s20, $0xb8;
	[tilespmem:$0x1C200] =	vst v63  }
0x73: {  	_ =	swait.ge [sflag:s19], $0x4000  }
0x74: {  	[sflag:s19] =	ssyncset.done $0x0  }
0x75: {  	[sflag:s19] =	ssyncadd.s32 $0xFFFFC000  }
0x76: {  	_ =	swait.ge [sflag:s25], $0x4000  }
.Ltmp1:
0x77: {  	[sflag:s25] =	ssyncset.done $0x0;
	(pc) =	sbr.rel @p0 .LBB2_4-.Ltmp1, $4  }
0x78: {  	[sflag:s25] =	ssyncadd.s32 $0xFFFFC000  }
0x79: {  	[spmem:s1] =	stream.indirect.scatter.add.f32 [tilespmem:s23], [sflag:$0x3], $0x80, s22, s20, $0xb8;
	[tilespmem:$0x1C200] =	vst v63  }
0x7a: {  	_ =	swait.ge [sflag:s19], $0x4000  }
0x7b: {  	s30 =	smov.u32 s29;
	[sflag:s19] =	ssyncset.done $0x0  }
0x7c: {  	s0 =	sadd.s32 s28, s15;
	[sflag:s19] =	ssyncadd.s32 $0xFFFFC000  }
0x7d: {  	[tilespmem:s2], [sflag:$0x3] =	stream.linear.gather [hbm4b:s0+s2], $0x80, $0x38;
	[tilespmem:$0x1C200] =	vst v63  }
0x7e: {  	_ =	swait.ge [sflag:s19], $0x80  }
0x7f: {  	[sflag:s19] =	ssyncset.done $0x0  }
0x80: {  	s30 =	sadd.s32 s28, s14;
	[sflag:s19] =	ssyncadd.s32 $0xFFFFFF80  }
0x81: {  	[tilespmem:s20], [sflag:$0x3] =	stream.linear.gather [hbm4b:s30+s2], $0x80, $0x38;
	[tilespmem:$0x1C200] =	vst v63  }
0x82: {  	_ =	swait.ge [sflag:s19], $0x80  }
0x83: {  	[sflag:s19] =	ssyncset.done $0x0  }
0x84: {  	[sflag:s19] =	ssyncadd.s32 $0xFFFFFF80  }
0x85: {  	[tilespmem:s18], [sflag:$0x1] =	stream.indirect.gather [hbm4b:s4+s20], $0x80, s2, s20, $0xb8;
	[tilespmem:$0x1C200] =	vst v63  }
0x86: {  	s31 =	sadd.s32 s28, s17  }
0x87: {  	[tilespmem:s21], [sflag:$0x3] =	stream.linear.gather [hbm4b:s31+s2], $0x80, $0x38;
	[tilespmem:$0x1C200] =	vst v63  }
0x88: {  	_ =	swait.ge [sflag:s19], $0x80  }
0x89: {  	[sflag:s19] =	ssyncset.done $0x0  }
0x8a: {  	s29 =	sadd.s32 s28, s16;
	[sflag:s19] =	ssyncadd.s32 $0xFFFFFF80  }
0x8b: {  	[tilespmem:s22], [sflag:$0x3] =	stream.linear.gather [hbm4b:s29+s2], $0x80, $0x38;
	[tilespmem:$0x1C200] =	vst v63  }
0x8c: {  	_ =	swait.ge [sflag:s19], $0x80  }
0x8d: {  	[sflag:s19] =	ssyncset.done $0x0  }
0x8e: {  	[sflag:s19] =	ssyncadd.s32 $0xFFFFFF80  }
0x8f: {  	[tilespmem:s23], [sflag:$0x2] =	stream.indirect.gather [hbm4b:s4+s20], $0x80, s21, s20, $0xb8;
	[tilespmem:$0x1C200] =	vst v63  }
0x90: {  	_ =	swait.ge [sflag:s24], $0x4000  }
0x91: {  	[sflag:s24] =	ssyncset.done $0x0  }
0x92: {  	[sflag:s24] =	ssyncadd.s32 $0xFFFFC000  }
0x93: {  	[spmem:s1] =	stream.indirect.scatter.add.f32 [tilespmem:s18], [sflag:$0x3], $0x80, s20, s20, $0xb8;
	[tilespmem:$0x1C200] =	vst v63  }
0x94: {  	_ =	swait.ge [sflag:s19], $0x4000  }
0x95: {  	[sflag:s19] =	ssyncset.done $0x0  }
0x96: {  	[sflag:s19] =	ssyncadd.s32 $0xFFFFC000  }
0x97: {  	_ =	swait.ge [sflag:s25], $0x4000  }
0x98: {  	[sflag:s25] =	ssyncset.done $0x0  }
0x99: {  	[sflag:s25] =	ssyncadd.s32 $0xFFFFC000  }
0x9a: {  	[spmem:s1] =	stream.indirect.scatter.add.f32 [tilespmem:s23], [sflag:$0x3], $0x80, s22, s20, $0xb8;
	[tilespmem:$0x1C200] =	vst v63  }
0x9b: {  	_ =	swait.ge [sflag:s19], $0x4000  }
0x9c: {  	[sflag:s19] =	ssyncset.done $0x0  }
0x9d: {  	[sflag:s19] =	ssyncadd.s32 $0xFFFFC000  }
0x9e: {  	[tilespmem:s2], [sflag:$0x3] =	stream.linear.gather [hbm4b:s6+s2], $0x80, $0x38;
	[tilespmem:$0x1C200] =	vst v63  }
0x9f: {  	_ =	swait.ge [sflag:s19], $0x80  }
0xa0: {  	[sflag:s19] =	ssyncset.done $0x0  }
0xa1: {  	[sflag:s19] =	ssyncadd.s32 $0xFFFFFF80  }
0xa2: {  	[tilespmem:s20], [sflag:$0x3] =	stream.linear.gather [hbm4b:s7+s2], $0x80, $0x38;
	[tilespmem:$0x1C200] =	vst v63  }
0xa3: {  	_ =	swait.ge [sflag:s19], $0x80  }
0xa4: {  	[sflag:s19] =	ssyncset.done $0x0  }
0xa5: {  	[sflag:s19] =	ssyncadd.s32 $0xFFFFFF80  }
0xa6: {  	[tilespmem:s18], [sflag:$0x1] =	stream.indirect.gather [hbm4b:s4+s20], $0x80, s2, s20, $0xb8;
	[tilespmem:$0x1C200] =	vst v63  }
0xa7: {  	_ =	swait.ge [sflag:s24], $0x4000  }
0xa8: {  	[sflag:s24] =	ssyncset.done $0x0  }
0xa9: {  	[sflag:s24] =	ssyncadd.s32 $0xFFFFC000  }
0xaa: {  	[spmem:s1] =	stream.indirect.scatter.add.f32 [tilespmem:s18], [sflag:$0x3], $0x80, s20, s20, $0xb8;
	[tilespmem:$0x1C200] =	vst v63  }
0xab: {  	_ =	swait.ge [sflag:s19], $0x4000  }
0xac: {  	s26 =	sadd.s32 $0x1, s26;
	s30 =	sshll.u32 s3, $0x6;
	[sflag:s19] =	ssyncset.done $0x0  }
0xad: {  	p0 =	sne.s32 s26, s9;
	s0 =	sor.u32 $0x1C03, s30;
	[sflag:s19] =	ssyncadd.s32 $0xFFFFC000  }
.Ltmp2:
0xae: {  	s31 =	sshrl.u32 s5, $0x3;
	[bflag:$0x0] =	sbarrier.arrive $0xFFFF;
	(pc) =	sbr.rel @p0 .LBB2_1-.Ltmp2, $4  }
0xaf: {  	[hbm:s8], [sflag:s0] =	dma.local [spmem:s31], $0x2800  }
0xb0: {  	_ =	swait.ge [sflag:s19], $0x2800  }
0xb1: {  	[sflag:s19] =	ssyncset.done $0x0  }
0xb2: {  	[sflag:s19] =	ssyncadd.s32 $0xFFFFD800  }
0xb3: {  	_ =	sfence.sel $0x180000  }
0xb4: {  	[bflag:$0x0] =	sbarrier.arrive $0xFFFF  }
0xb5: {  	_ =	strace $0x9000004D  }
0xb6: {  	[bflag:$0x2] =	sbarrier.arrive $0xFFFF  }
0xb7: {  	p0 =	sne.s32 s3, $0x0;
	s0 =	rddreg [dreg:$0x2]  }
0xb8: {  	s0 =	sadd.s32 @!p0 $0x100000, s0  }
0xb9: {  	[sflag:s0] =	ssyncadd.tile.s32 @!p0 $0x1;
	_ =	shalt  }
.Lfunc_end2:
_tile_overlayer_lowered:
.L_overlay_start_2:
0xba: {  	(tag) =	ssettag $0x2  }
0xbb: {  	s0 =	rddreg [dreg:$0x0];
	s2 =	stileid.u32  }
0xbc: {  	s1 =	rddreg [dreg:$0x1];
	p0 =	sne.s32 s2, $0x0  }
0xbd: {  	s3 =	rddreg [dreg:$0x2];
	[bflag:$0x3] =	sbarrier.arrive $0xFFFF;
	s2 =	simm.s32 @!p0 $0x1C03  }
0xbe: {  	[timem:s3], [sflag:s2] =	dma.local @!p0 [hbm:s0], s1  }
0xbf: {  	s0 =	simm.s32 @!p0 $0x3  }
0xc0: {  	_ =	swait.ge @!p0 [sflag:s0], s1  }
0xc1: {  	s1 =	ssub.s32 @!p0 $0x0, s1;
	[sflag:s0] =	ssyncset.done @!p0 $0x0  }
0xc2: {  	[sflag:s0] =	ssyncadd.s32 @!p0 s1  }
0xc3: {  	[bflag:$0x3] =	sbarrier.arrive $0xFFFF  }
0xc4: {  	_ =	shalt  }

// kernel: kernel.9.cloned.1.call-start
scs
__scs_entry_jumppad:
0x0: {  	(pc) =	sbr.rel $0x88, $3  }
0x1: {  	(tag) =	ssettag $0x0;
	lr =	simm.s32 $0x1  }
0x2: {  	[smem:$0x3F8F] =	sst lr;
	_ =	strace $0xD0000000  }
0x3: {  	_ = 	snop  }
0x4: {  	_ = 	snop  }
0x5: {  	_ = 	snop  }
0x6: {  	_ = 	snop  }
0x7: {  	_ = 	snop  }
__scs_overlays_trampoline_lowered:
0x8: {  	[smem:$0x3F9E] =	sst s0  }
0x9: {  	[smem:$0x3F9F] =	sst s1  }
0xa: {  	[smem:$0x3FA0] =	sst s2  }
0xb: {  	[smem:$0x3FA1] =	sst s3  }
0xc: {  	[smem:$0x3FA2] =	sst s4  }
0xd: {  	[smem:$0x3FA3] =	sst s5  }
0xe: {  	[smem:$0x3FA4] =	sst s6  }
0xf: {  	[smem:$0x3FA5] =	sst s7  }
0x10: {  	[smem:$0x3FA6] =	sst s8  }
0x11: {  	[smem:$0x3FA7] =	sst s9;
	s0 =	simm.s32 @!p0 $0x0  }
0x12: {  	s1 =	sld [smem:$0x3F8D];
	s0 =	simm.s32 @p0 $0x1  }
0x13: {  	[smem:$0x3FA8] =	sst s0;
	s0 =	simm.s32 @!p1 $0x0  }
0x14: {  	s2 =	sld [smem:$0x3F8C];
	s0 =	simm.s32 @p1 $0x1  }
0x15: {  	[smem:$0x3FA9] =	sst s0;
	s0 =	simm.s32 @!p2 $0x0  }
0x16: {  	s3 =	sld [smem:$0x3FDB];
	s0 =	simm.s32 @p2 $0x1  }
0x17: {  	s4 =	simm.s32 $0x1BF5;
	[smem:$0x3FAB] =	sst s0  }
0x18: {  	s0 =	sld [smem:$0x3F8E];
	_ =	swait.ge [sflag:s4], $0x0  }
0x19: {  	s7 =	sld [smem:$0x3F8F]  }
0x1a: {  	s8 =	sadd.s32 $0xFFFFE003, lr  }
0x1b: {  	s9 =	sadd.s32 $0xFFFFFEF7, lr;
	s5 =	simm.s32 $0xFFFFFFFF;
	p2 =	slt.u32 s8, $0xFFFFF086  }
0x1c: {  	p1 =	slt.u32 s9, $0xF7A;
	s5 =	simm.s32 @!p2 $0x0  }
0x1d: {  	s5 =	simm.s32 @p1 $0x1;
	p0 =	seq.s32 s7, s2  }
0x1e: {  	s7 =	smul.u32 @!p0 $0xF7A, s2;
	p2 =	seq.s32 @!p0 s5, $0x0  }
0x1f: {  	s9 =	smul.u32 $0xF7A, s1;
	s8 =	simm.s32 @!p0 $0x1BF5;
	p2 =	por !p2, p0  }
0x20: {  	[sflag:s8] =	ssyncset.s32 @!p0 $0xFFFFF086;
	s6 =	sadd.s32 @!p0 s3, s7;
	s7 =	simm.s32 @!p0 $0x108  }
0x21: {  	s3 =	sadd.s32 s3, s9;
	s6 =	sadd.s32 @!p0 $0x88, s6;
	s7 =	simm.s32 @p2 $0x1082  }
0x22: {  	[simem:s7], [sflag:s8] =	dma.local @!p0 [hbm:s6], $0xF7A  }
0x23: {  	s9 =	sor.u32 $0xD0000000, s2;
	s6 =	simm.s32 $0x108;
	_ =	swait.ge @!p0 [sflag:s8], $0x0  }
0x24: {  	s3 =	sadd.s32 $0x88, s3;
	s6 =	simm.s32 @!p1 $0x1082;
	[sflag:s4] =	ssyncset.s32 $0xFFFFF086  }
0x25: {  	[simem:s6], [sflag:s4] =	dma.local [hbm:s3], $0xF7A  }
0x26: {  	[smem:$0x3F8F] =	sst s1;
	(tag) =	ssettag s2;
	_ =	strace s9  }
0x27: {  	s1 =	sld [smem:$0x3F9F]  }
0x28: {  	s2 =	sld [smem:$0x3FA0]  }
0x29: {  	s4 =	sld [smem:$0x3FA2]  }
0x2a: {  	p0 =	seq.s32 s5, $0x0;
	s5 =	sld [smem:$0x3FA3]  }
0x2b: {  	s6 =	sld [smem:$0x3FA4]  }
0x2c: {  	s7 =	sld [smem:$0x3FA5]  }
0x2d: {  	s3 =	simm.s32 $0x108;
	s8 =	sld [smem:$0x3FA6]  }
0x2e: {  	s3 =	simm.s32 @!p0 $0x1082;
	s9 =	sld [smem:$0x3FA7]  }
0x2f: {  	lr =	sadd.s32 s0, s3;
	s0 =	sld [smem:$0x3F9E]  }
0x30: {  	s3 =	sld [smem:$0x3FA1]  }
0x31: {  	[smem:$0x3FAA] =	sst s10  }
0x32: {  	s10 =	sld [smem:$0x3FA8];
	_ =	sdelay $0x3  }
0x33: {  	p0 =	seq.s32 s10, $0x1;
	s10 =	sld [smem:$0x3FAA];
	_ =	sdelay $0x3  }
0x34: {  	[smem:$0x3FAA] =	sst s10  }
0x35: {  	s10 =	sld [smem:$0x3FA9];
	_ =	sdelay $0x3  }
0x36: {  	p1 =	seq.s32 s10, $0x1;
	s10 =	sld [smem:$0x3FAA];
	_ =	sdelay $0x3  }
0x37: {  	[smem:$0x3FAA] =	sst s10  }
0x38: {  	s10 =	sld [smem:$0x3FAB]  }
0x39: {  	_ = 	snop;
	(pc) =	sbr.ind lr, $3  }
0x3a: {  	_ = 	snop  }
0x3b: {  	_ = 	snop  }
0x3c: {  	p2 =	seq.s32 s10, $0x1;
	s10 =	sld [smem:$0x3FAA]  }
0x3d: {  	_ =	shalt  }
0x3e: {  	_ =	shalt  }
0x3f: {  	_ =	shalt  }
0x40: {  	_ =	shalt  }
0x41: {  	_ =	shalt  }
0x42: {  	_ =	shalt  }
0x43: {  	_ =	shalt  }
0x44: {  	_ =	shalt  }
0x45: {  	_ =	shalt  }
0x46: {  	_ =	shalt  }
0x47: {  	_ =	shalt  }
0x48: {  	_ =	shalt  }
0x49: {  	_ =	shalt  }
0x4a: {  	_ =	shalt  }
0x4b: {  	_ =	shalt  }
0x4c: {  	_ =	shalt  }
0x4d: {  	_ =	shalt  }
0x4e: {  	_ =	shalt  }
0x4f: {  	_ =	shalt  }
0x50: {  	_ =	shalt  }
0x51: {  	_ =	shalt  }
0x52: {  	_ =	shalt  }
0x53: {  	_ =	shalt  }
0x54: {  	_ =	shalt  }
0x55: {  	_ =	shalt  }
0x56: {  	_ =	shalt  }
0x57: {  	_ =	shalt  }
0x58: {  	_ =	shalt  }
0x59: {  	_ =	shalt  }
0x5a: {  	_ =	shalt  }
0x5b: {  	_ =	shalt  }
0x5c: {  	_ =	shalt  }
0x5d: {  	_ =	shalt  }
0x5e: {  	_ =	shalt  }
0x5f: {  	_ =	shalt  }
0x60: {  	_ =	shalt  }
0x61: {  	_ =	shalt  }
0x62: {  	_ =	shalt  }
0x63: {  	_ =	shalt  }
0x64: {  	_ =	shalt  }
0x65: {  	_ =	shalt  }
0x66: {  	_ =	shalt  }
0x67: {  	_ =	shalt  }
0x68: {  	_ =	shalt  }
0x69: {  	_ =	shalt  }
0x6a: {  	_ =	shalt  }
0x6b: {  	_ =	shalt  }
0x6c: {  	_ =	shalt  }
0x6d: {  	_ =	shalt  }
0x6e: {  	_ =	shalt  }
0x6f: {  	_ =	shalt  }
0x70: {  	_ =	shalt  }
0x71: {  	_ =	shalt  }
0x72: {  	_ =	shalt  }
0x73: {  	_ =	shalt  }
0x74: {  	_ =	shalt  }
0x75: {  	_ =	shalt  }
0x76: {  	_ =	shalt  }
0x77: {  	_ =	shalt  }
0x78: {  	_ =	shalt  }
0x79: {  	_ =	shalt  }
0x7a: {  	_ =	shalt  }
0x7b: {  	_ =	shalt  }
0x7c: {  	_ =	shalt  }
0x7d: {  	_ =	shalt  }
0x7e: {  	_ =	shalt  }
0x7f: {  	_ =	shalt  }
0x80: {  	_ =	shalt  }
0x81: {  	_ =	shalt  }
0x82: {  	_ =	shalt  }
0x83: {  	_ =	shalt  }
0x84: {  	_ =	shalt  }
0x85: {  	_ =	shalt  }
0x86: {  	_ =	shalt  }
0x87: {  	_ =	shalt  }
.Lfunc_end0:
.L_simem_size_0:
called_computation_lowered:
.L_overlay_start_0:
0x88: {  	s2 =	sld [smem:$0x3FD9]  }
0x89: {  	s3 =	sld [smem:$0x3FFE];
	_ =	sdelay $0x1  }
0x8a: {  	s1 =	srdreg.scid  }
0x8b: {  	s0 =	sand.u32 $0x1, s1  }
0x8c: {  	s16 =	sshll.u32 s0, $0xA;
	s2 =	sadd.s32 s3, s2  }
0x8d: {  	s2 =	sadd.s32 s2, s16  }
0x8e: {  	[smem:$0x3FB6] =	sst s2  }
0x8f: {  	_ = 	snop  }
0x90: {  	(tm) =	ssettm $0x1  }
0x91: {  	s17 =	sld [smem:$0x3FFB];
	_ =	sdelay $0x3  }
0x92: {  	_ =	strace s17  }
0x93: {  	s2 =	sld [smem:$0x3FFC];
	_ =	sdelay $0x3  }
0x94: {  	_ =	strace s2  }
0x95: {  	s2 =	sld [smem:$0x3FFD];
	_ =	sdelay $0x3  }
0x96: {  	_ =	strace s2  }
0x97: {  	_ =	strace $0x8FFFFFFF  }
0x98: {  	s18 =	sld [smem:$0x3FDB];
	_ =	sdelay $0x1  }
0x99: {  	s19 =	simm.s32 $_scs_section_size  }
0x9a: {  	s4 =	simm.s32 $_size__tile_overlayer_lowered;
	s5 =	simm.s32 $_tile_overlayer_lowered  }
0x9b: {  	s22 =	simm.s32 $0x1BFF;
	s21 =	sshll.u32 s5, $0x1;
	s2 =	sadd.s32 s19, s18  }
0x9c: {  	s6 =	simm.s32 $0x0;
	s20 =	sshll.u32 s4, $0x1;
	s4 =	sadd.s32 s21, s2  }
0x9d: {  	[timem:s6], [sflag:s22] =	dma.local [hbm:s4], s20  }
0x9e: {  	_ =	swait.ge [sflag:s22], s20  }
0x9f: {  	s3 =	ssub.s32 $0x0, s20;
	[sflag:s22] =	ssyncset.done $0x0  }
0xa0: {  	[sflag:s22] =	ssyncadd.s32 s3;
	_ =	sdelay $0x1  }
0xa1: {  	s23 =	simm.s32 $0x1B8B  }
0xa2: {  	_ =	swait.ge [sflag:s23], $0x1  }
0xa3: {  	[sflag:s23] =	ssyncset.done $0x0  }
0xa4: {  	s25 =	simm.s32 $0x1B8E;
	s24 =	sld [smem:$0x3FFE];
	[sflag:s23] =	ssyncadd.s32 $0xFFFFFFFF  }
0xa5: {  	s26 =	simm.s32 $execute0_lowered;
	[smem:$0x3FD2] =	sst s25  }
0xa6: {  	s4 =	sshll.u32 s26, $0x1;
	_ =	strace $0x80000046;
	[dreg:$0x1] =	wrdreg $0xFFFFFFFF  }
0xa7: {  	s28 =	simm.s32 $_size_execute0_lowered;
	s2 =	sadd.s32 s2, s4;
	[dreg:$0x0] =	wrdreg $0x0  }
0xa8: {  	s4 =	sshll.u32 s28, $0x1;
	[dreg:$0x2] =	wrdreg s2  }
0xa9: {  	[dreg:$0x3] =	wrdreg s4  }
0xaa: {  	[dreg:$0x4] =	wrdreg $0xC0  }
0xab: {  	_ =	task [dreg:s6], $0x5FFFF  }
0xac: {  	[dreg:$0x1] =	wrdreg $0xFFFFFFFF  }
0xad: {  	[dreg:$0x0] =	wrdreg $0x60  }
0xae: {  	[dreg:$0x2] =	wrdreg s24  }
0xaf: {  	[dreg:$0x3] =	wrdreg $0x4000  }
0xb0: {  	[dreg:$0x4] =	wrdreg $0x9  }
0xb1: {  	_ =	task.clear_ibuf [dreg:s6], $0x5FFFF;
	_ =	strace $0x90000046  }
0xb2: {  	s29 =	simm.s32 $0x9;
	_ =	strace $0x80000048  }
0xb3: {  	_ =	swait.ge [sflag:s29], $0x1  }
0xb4: {  	[sflag:s29] =	ssyncadd.s32 $0xFFFFFFFF  }
0xb5: {  	_ =	strace $0x90000048  }
0xb6: {  	_ =	sfence  }
0xb7: {  	s30 =	sld [smem:$0x0];
	_ =	sdelay $0x2  }
0xb8: {  	s31 =	sshll.u32 s1, $0xD;
	s1 =	sshrl.u32 s1, $0x2  }
0xb9: {  	s3 =	sand.u32 $0x4000, s31;
	s1 =	sadd.s32 s1, s30  }
0xba: {  	s0 =	sor.u32 s3, s0;
	s1 =	sshll.u32 s1, $0x11  }
0xbb: {  	s0 =	sor.u32 s1, s0  }
0xbc: {  	s0 =	sadd.s32 $0x8F2B, s0  }
0xbd: {  	[sflag:s0] =	ssyncadd.remote.s32 $0x1  }
0xbe: {  	_ =	sfence.sel $0xFFFF  }
0xbf: {  	[dreg:$0x0] =	wrdreg $0xFFFFFFFF;
	(pc) =	sbr.abs _section_cstart, $3  }
0xc0: {  	[dreg:$0x1] =	wrdreg $0xFFFFFFFF  }
0xc1: {  	_ =	task.clear_ibuf [dreg:s6], $0x2FFFF;
	_ =	strace $0x9FFFFFFF  }
0xc2: {  	(tm) =	ssettm $0x7FFFFFFF  }
0xc3: {  	_ =	shalt  }
tec
execute0_lowered:
.L_overlay_start_1:
0x0: {  	(tag) =	ssettag $0x1  }
0x1: {  	s4 =	rddreg [dreg:$0x0]  }
0x2: {  	s1 =	rddreg [dreg:$0x1]  }
0x3: {  	s0 =	rddreg [dreg:$0x2];
	s3 =	simm.s32 $0x0  }
0x4: {  	s5 =	srdreg.scid;
	s2 =	stileid.u32;
	s13 =	simm.s32 $0x100  }
0x5: {  	s14 =	simm.s32 $0x1;
	s15 =	simm.s32 $0x2;
	s18 =	simm.s32 $0x20  }
0x6: {  	s19 =	simm.s32 $0x10;
	s20 =	simm.s32 $0x0;
	s6 =	smul.u32 $0x500, s2  }
0x7: {  	[smem:$0x7FF] =	sst s3;
	s5 =	sand.u32 $0x1, s5;
	s8 =	smul.u32 $0xA00, s2  }
0x8: {  	s7 =	sshll.u32 s2, $0x1;
	s9 =	sadd.s32 $0xD800, s4;
	s11 =	smul.u32 $0x4F00, s2  }
0x9: {  	s16 =	sshll.u32 s2, $0x6;
	_ =	strace $0x80000047;
	s7 =	sor.u32 s5, s7  }
0xa: {  	s10 =	sshll.u32 s5, $0x7;
	s24 =	ssub.s32 $0x2, s5;
	s5 =	smul.u32 $0x2780, s5  }
0xb: {  	s16 =	sor.u32 $0x1C03, s16;
	s7 =	smul.u32 $0x2780, s7;
	s6 =	sor.u32 s10, s6  }
0xc: {  	s12 =	sshrl.u32 s24, $0x1;
	s26 =	sshrl.u32 s8, $0x2;
	s6 =	sshrl.u32 s6, $0x3  }
0xd: {  	s10 =	ssub.s32 s24, s12;
	s11 =	sadd.s32 s5, s11;
	s12 =	simm.s32 $0x80  }
0xe: {  	s6 =	sadd.s32 s6, s4;
	s25 =	sshrl.u32 s7, $0x3;
	s4 =	sadd.s32 s26, s1  }
0xf: {  	s29 =	sadd.s32 $0x80, s11;
	s30 =	sshrl.u32 s11, $0x3;
	s7 =	smax.u32 s10, $0x1  }
0x10: {  	s10 =	simm.s32 $0x180;
	s11 =	simm.s32 $0x3;
	s28 =	sadd.s32 s9, s25  }
0x11: {  	s6 =	sadd.s32 $0x17600, s6;
	s31 =	sshrl.u32 s29, $0x3;
	s8 =	sadd.s32 s30, s9  }
0x12: {  	v0 =	vimm.f32 $1.000000000e+00;
	v1 =	vimm.f32 $0.0e+00;
	s17 =	sshrl.u32 s4, $0x3;
	s5 =	sadd.s32 $0x4E0, s28;
	s9 =	sadd.s32 s31, s9  }
.LBB2_1:
0x13: {  	[tilespmem:$0x0] =	vst v0  }
0x14: {  	[tilespmem:$0x10] =	vst v0  }
0x15: {  	[tilespmem:$0x20] =	vst v0  }
0x16: {  	[tilespmem:$0x30] =	vst v0  }
0x17: {  	[tilespmem:$0x40] =	vst v0  }
0x18: {  	[tilespmem:$0x50] =	vst v0  }
0x19: {  	[tilespmem:$0x60] =	vst v0  }
0x1a: {  	[tilespmem:$0x70] =	vst v0  }
0x1b: {  	[tilespmem:$0x180] =	vst v1  }
0x1c: {  	[tilespmem:$0x190] =	vst v1  }
0x1d: {  	[tilespmem:$0x1A0] =	vst v1  }
0x1e: {  	[tilespmem:$0x1B0] =	vst v1  }
0x1f: {  	[tilespmem:$0x1C0] =	vst v1  }
0x20: {  	[tilespmem:$0x1D0] =	vst v1  }
0x21: {  	[tilespmem:$0x1E0] =	vst v1  }
0x22: {  	[tilespmem:$0x1F0] =	vst v1  }
0x23: {  	[tilespmem:$0x200] =	vst v1  }
0x24: {  	[tilespmem:$0x210] =	vst v1  }
0x25: {  	[tilespmem:$0x220] =	vst v1  }
0x26: {  	[tilespmem:$0x230] =	vst v1  }
0x27: {  	[tilespmem:$0x240] =	vst v1  }
0x28: {  	[tilespmem:$0x250] =	vst v1  }
0x29: {  	[tilespmem:$0x260] =	vst v1  }
0x2a: {  	[tilespmem:$0x270] =	vst v1  }
0x2b: {  	[tilespmem:$0x280] =	vst v1  }
0x2c: {  	[tilespmem:$0x290] =	vst v1  }
0x2d: {  	[tilespmem:$0x2A0] =	vst v1  }
0x2e: {  	[tilespmem:$0x2B0] =	vst v1  }
0x2f: {  	[tilespmem:$0x2C0] =	vst v1  }
0x30: {  	[tilespmem:$0x2D0] =	vst v1  }
0x31: {  	[tilespmem:$0x2E0] =	vst v1  }
0x32: {  	[tilespmem:$0x2F0] =	vst v1  }
0x33: {  	[tilespmem:$0x300] =	vst v1  }
0x34: {  	[tilespmem:$0x310] =	vst v1  }
0x35: {  	[tilespmem:$0x320] =	vst v1  }
0x36: {  	[tilespmem:$0x330] =	vst v1  }
0x37: {  	[tilespmem:$0x340] =	vst v1  }
0x38: {  	[tilespmem:$0x350] =	vst v1  }
0x39: {  	[tilespmem:$0x360] =	vst v1  }
0x3a: {  	[tilespmem:$0x370] =	vst v1  }
0x3b: {  	[tilespmem:$0x380] =	vst v1  }
0x3c: {  	[tilespmem:$0x390] =	vst v1  }
0x3d: {  	[tilespmem:$0x3A0] =	vst v1  }
0x3e: {  	[tilespmem:$0x3B0] =	vst v1  }
0x3f: {  	[tilespmem:$0x3C0] =	vst v1  }
0x40: {  	[tilespmem:$0x3D0] =	vst v1  }
0x41: {  	[tilespmem:$0x3E0] =	vst v1  }
0x42: {  	[tilespmem:$0x3F0] =	vst v1  }
0x43: {  	[spmem:s4] =	stream.linear.scatter [tilespmem:s10], [sflag:$0x3], $0x280, $0x38;
	[tilespmem:$0x680] =	vst v63  }
0x44: {  	_ =	swait.ge [sflag:s11], $0x280  }
0x45: {  	[sflag:s11] =	ssyncset.done $0x0  }
0x46: {  	[sflag:s11] =	ssyncadd.s32 $0xFFFFFD80  }
0x47: {  	s21 =	sadd.s32 $0x0, s8;
	[bflag:$0x0] =	sbarrier.arrive $0xFFFF  }
0x48: {  	[tilespmem:s12], [sflag:$0x1] =	stream.linear.gather [hbm4b:s21+s3], $0x80, $0x38;
	[tilespmem:$0x680] =	vst v63  }
0x49: {  	s31 =	sadd.s32 $0x0, s9  }
0x4a: {  	[tilespmem:s13], [sflag:$0x2] =	stream.linear.gather [hbm4b:s31+s3], $0x80, $0x38;
	[tilespmem:$0x680] =	vst v63  }
0x4b: {  	_ =	swait.ge [sflag:s14], $0x80  }
0x4c: {  	[sflag:s14] =	ssyncset.done $0x0  }
0x4d: {  	[sflag:s14] =	ssyncadd.s32 $0xFFFFFF80  }
0x4e: {  	[spmem:s1] =	stream.indirect.scatter.add.f32 [tilespmem:s3], [sflag:$0x3], $0x1, s12, s12, $0xb8;
	[tilespmem:$0x680] =	vst v63  }
0x4f: {  	_ =	swait.ge [sflag:s11], $0x80  }
0x50: {  	[sflag:s11] =	ssyncset.done $0x0  }
0x51: {  	[sflag:s11] =	ssyncadd.s32 $0xFFFFFF80  }
0x52: {  	_ =	swait.ge [sflag:s15], $0x80  }
0x53: {  	[sflag:s15] =	ssyncset.done $0x0  }
0x54: {  	[sflag:s15] =	ssyncadd.s32 $0xFFFFFF80  }
0x55: {  	[spmem:s1] =	stream.indirect.scatter.add.f32 [tilespmem:s3], [sflag:$0x3], $0x1, s13, s12, $0xb8;
	[tilespmem:$0x680] =	vst v63  }
0x56: {  	_ =	swait.ge [sflag:s11], $0x80  }
0x57: {  	s22 =	simm.s32 $0x40;
	s21 =	simm.s32 $0x20;
	[sflag:s11] =	ssyncset.done $0x0  }
.LBB2_2:
0x58: {  	s23 =	sadd.s32 s21, s8  }
0x59: {  	[sflag:s11] =	ssyncadd.s32 $0xFFFFFF80;
	s24 =	smov.u32 s22;
	s25 =	sadd.s32 $0x20, s22  }
0x5a: {  	[tilespmem:s12], [sflag:$0x1] =	stream.linear.gather [hbm4b:s23+s3], $0x80, $0x38;
	[tilespmem:$0x680] =	vst v63  }
0x5b: {  	p0 =	sne.s32 s22, $0x4C0;
	s22 =	sadd.s32 s21, s9;
	s21 =	smov.u32 s24  }
0x5c: {  	[tilespmem:s13], [sflag:$0x2] =	stream.linear.gather [hbm4b:s22+s3], $0x80, $0x38;
	[tilespmem:$0x680] =	vst v63  }
0x5d: {  	_ =	swait.ge [sflag:s14], $0x80  }
0x5e: {  	[sflag:s14] =	ssyncset.done $0x0  }
0x5f: {  	[sflag:s14] =	ssyncadd.s32 $0xFFFFFF80  }
0x60: {  	[spmem:s1] =	stream.indirect.scatter.add.f32 [tilespmem:s3], [sflag:$0x3], $0x1, s12, s12, $0xb8;
	[tilespmem:$0x680] =	vst v63  }
0x61: {  	_ =	swait.ge [sflag:s11], $0x80  }
0x62: {  	[sflag:s11] =	ssyncset.done $0x0  }
0x63: {  	[sflag:s11] =	ssyncadd.s32 $0xFFFFFF80  }
0x64: {  	_ =	swait.ge [sflag:s15], $0x80  }
.Ltmp0:
0x65: {  	[sflag:s15] =	ssyncset.done $0x0;
	(pc) =	sbr.rel @p0 .LBB2_2-.Ltmp0, $4  }
0x66: {  	[sflag:s15] =	ssyncadd.s32 $0xFFFFFF80  }
0x67: {  	[spmem:s1] =	stream.indirect.scatter.add.f32 [tilespmem:s3], [sflag:$0x3], $0x1, s13, s12, $0xb8;
	[tilespmem:$0x680] =	vst v63  }
0x68: {  	_ =	swait.ge [sflag:s11], $0x80  }
0x69: {  	s22 =	smov.u32 s25;
	[sflag:s11] =	ssyncset.done $0x0  }
0x6a: {  	s22 =	sadd.s32 s21, s8;
	[sflag:s11] =	ssyncadd.s32 $0xFFFFFF80  }
0x6b: {  	[tilespmem:s12], [sflag:$0x1] =	stream.linear.gather [hbm4b:s22+s3], $0x80, $0x38;
	[tilespmem:$0x680] =	vst v63  }
0x6c: {  	s31 =	sadd.s32 s21, s9  }
0x6d: {  	[tilespmem:s13], [sflag:$0x2] =	stream.linear.gather [hbm4b:s31+s3], $0x80, $0x38;
	[tilespmem:$0x680] =	vst v63  }
0x6e: {  	_ =	swait.ge [sflag:s14], $0x80  }
0x6f: {  	[sflag:s14] =	ssyncset.done $0x0  }
0x70: {  	[sflag:s14] =	ssyncadd.s32 $0xFFFFFF80  }
0x71: {  	[spmem:s1] =	stream.indirect.scatter.add.f32 [tilespmem:s3], [sflag:$0x3], $0x1, s12, s12, $0xb8;
	[tilespmem:$0x680] =	vst v63  }
0x72: {  	_ =	swait.ge [sflag:s11], $0x80  }
0x73: {  	[sflag:s11] =	ssyncset.done $0x0  }
0x74: {  	[sflag:s11] =	ssyncadd.s32 $0xFFFFFF80  }
0x75: {  	_ =	swait.ge [sflag:s15], $0x80  }
0x76: {  	[sflag:s15] =	ssyncset.done $0x0  }
0x77: {  	[sflag:s15] =	ssyncadd.s32 $0xFFFFFF80  }
0x78: {  	[spmem:s1] =	stream.indirect.scatter.add.f32 [tilespmem:s3], [sflag:$0x3], $0x1, s13, s12, $0xb8;
	[tilespmem:$0x680] =	vst v63  }
0x79: {  	_ =	swait.ge [sflag:s11], $0x80  }
0x7a: {  	[sflag:s11] =	ssyncset.done $0x0  }
0x7b: {  	[sflag:s11] =	ssyncadd.s32 $0xFFFFFF80  }
0x7c: {  	[tilespmem:s12], [sflag:$0x3] =	stream.linear.gather [hbm4b:s5+s3], $0x80, $0x38;
	[tilespmem:$0x680] =	vst v63  }
0x7d: {  	_ =	swait.ge [sflag:s11], $0x80  }
0x7e: {  	[sflag:s11] =	ssyncset.done $0x0  }
0x7f: {  	[sflag:s11] =	ssyncadd.s32 $0xFFFFFF80  }
0x80: {  	[spmem:s1] =	stream.indirect.scatter.add.f32 [tilespmem:s3], [sflag:$0x3], $0x1, s12, s12, $0xb8;
	[tilespmem:$0x680] =	vst v63  }
0x81: {  	_ =	swait.ge [sflag:s11], $0x80  }
0x82: {  	s20 =	sadd.s32 $0x1, s20;
	[sflag:s11] =	ssyncset.done $0x0  }
0x83: {  	p0 =	sne.s32 s20, s7;
	[sflag:s11] =	ssyncadd.s32 $0xFFFFFF80  }
.Ltmp1:
0x84: {  	[bflag:$0x0] =	sbarrier.arrive $0xFFFF;
	(pc) =	sbr.rel @p0 .LBB2_1-.Ltmp1, $4  }
0x85: {  	[hbm:s6@s18], [sflag:s16] =	dma.strided [spmem:s17@s19], $0x50, s14, $0x10   }
0x86: {  	_ =	swait.ge [sflag:s11], $0x50  }
0x87: {  	[sflag:s11] =	ssyncset.done $0x0  }
0x88: {  	[sflag:s11] =	ssyncadd.s32 $0xFFFFFFB0  }
0x89: {  	_ =	sfence.sel $0x180000  }
0x8a: {  	[bflag:$0x0] =	sbarrier.arrive $0xFFFF  }
0x8b: {  	p0 =	sne.s32 s2, $0x0;
	_ =	strace $0x90000047  }
0x8c: {  	s0 =	sadd.s32 @!p0 $0x100000, s0;
	[bflag:$0x2] =	sbarrier.arrive $0xFFFF  }
0x8d: {  	[sflag:s0] =	ssyncadd.tile.s32 @!p0 $0x1;
	_ =	shalt  }
.Lfunc_end2:
_tile_overlayer_lowered:
.L_overlay_start_2:
0x8e: {  	(tag) =	ssettag $0x2  }
0x8f: {  	s0 =	rddreg [dreg:$0x0];
	s2 =	stileid.u32  }
0x90: {  	s1 =	rddreg [dreg:$0x1];
	p0 =	sne.s32 s2, $0x0  }
0x91: {  	s3 =	rddreg [dreg:$0x2];
	[bflag:$0x3] =	sbarrier.arrive $0xFFFF;
	s2 =	simm.s32 @!p0 $0x1C03  }
0x92: {  	[timem:s3], [sflag:s2] =	dma.local @!p0 [hbm:s0], s1  }
0x93: {  	s0 =	simm.s32 @!p0 $0x3  }
0x94: {  	_ =	swait.ge @!p0 [sflag:s0], s1  }
0x95: {  	s1 =	ssub.s32 @!p0 $0x0, s1;
	[sflag:s0] =	ssyncset.done @!p0 $0x0  }
0x96: {  	[sflag:s0] =	ssyncadd.s32 @!p0 s1  }
0x97: {  	[bflag:$0x3] =	sbarrier.arrive $0xFFFF  }
0x98: {  	_ =	shalt  }

</sc_bundles>
